<compile_context>
chip_gen: v7x
topology: tpu7x:2x2x1
jax: 0.10.2.dev20260603
libtpu: 0.0.44.dev20260713+nightly
codegen_flags: <defaults>
</compile_context>

<pallas_src>
import functools

import jax
import jax.numpy as jnp
from jax import lax
from jax.experimental import pallas as pl
from jax.experimental.pallas import tpu as pltpu
from jax.experimental.pallas import tpu_sc as plsc

B = 16384
D = 128
NC = 2
NS = 16
NW = NC * NS
CH = 128
CHUNK_SIZES = (12288, 4096)
CHUNK_STARTS = (0, 12288)
CNK = len(CHUNK_SIZES)


def _sc_gather_body(start, bpw, nch, uid_h, iid_h, ut_h, it_h, ug_h, ig_h,
                    uidx, iidx, buf0, buf1, buf2, buf3,
                    gsem0, gsem1, gsem2, gsem3, osem0, osem1, osem2, osem3):
    c = lax.axis_index("c")
    s = lax.axis_index("s")
    wid = s * NC + c
    base = wid * bpw
    np_ = 2 * nch
    pltpu.sync_copy(uid_h.at[pl.ds(start + base, bpw)], uidx)
    pltpu.sync_copy(iid_h.at[pl.ds(start + base, bpw)], iidx)

    bufs = (buf0, buf1, buf2, buf3)
    gsems = (gsem0, gsem1, gsem2, gsem3)
    osems = (osem0, osem1, osem2, osem3)
    nb = len(bufs)

    def src(p):
        if p < nch:
            return ut_h.at[uidx.at[pl.ds(p * CH, CH)]]
        return it_h.at[iidx.at[pl.ds((p - nch) * CH, CH)]]

    def dst(p):
        out = ug_h if p < nch else ig_h
        return out.at[pl.ds(base + (p % nch) * CH, CH)]

    ahead = 2 if np_ > 2 else 1
    g = [None] * nb
    o = [None] * nb
    for q in range(ahead):
        g[q] = pltpu.async_copy(src(q), bufs[q], gsems[q])
    for p in range(np_):
        cur = p % nb
        q = p + ahead
        if q < np_:
            slot = q % nb
            if o[slot] is not None:
                o[slot].wait()
                o[slot] = None
            g[slot] = pltpu.async_copy(src(q), bufs[slot], gsems[slot])
        g[cur].wait()
        o[cur] = pltpu.async_copy(bufs[cur], dst(p), osems[cur])
    for od in o:
        if od is not None:
            od.wait()


def _sc_gather(ci, uids, iids, user_table, item_table):
    cb = CHUNK_SIZES[ci]
    bpw = cb // NW
    nch = bpw // CH
    mesh = plsc.VectorSubcoreMesh(core_axis_name="c", subcore_axis_name="s",
                                  num_cores=NC, num_subcores=NS)
    run = pl.kernel(
        functools.partial(_sc_gather_body, CHUNK_STARTS[ci], bpw, nch),
        out_type=(
            jax.ShapeDtypeStruct((cb, D), jnp.float32),
            jax.ShapeDtypeStruct((cb, D), jnp.float32),
        ),
        mesh=mesh,
        compiler_params=pltpu.CompilerParams(use_tc_tiling_on_sc=True),
        scratch_types=(
            [pltpu.VMEM((bpw,), jnp.int32)] * 2
            + [pltpu.VMEM((CH, D), jnp.float32)] * 4
            + [pltpu.SemaphoreType.DMA] * 8
        ),
        name="sc_embedding_gather",
    )
    return run(uids, iids, user_table, item_table)


BLK = 4096


def _mlp_body(u_ref, i_ref, w1u_ref, w1i_ref, b1_ref, w2_ref, b2_ref,
              wp_ref, bp_ref, *rest):
    o_ref = rest[-1]
    h = jnp.dot(u_ref[...], w1u_ref[...], preferred_element_type=jnp.float32)
    h = h + jnp.dot(i_ref[...], w1i_ref[...], preferred_element_type=jnp.float32)
    h = jnp.maximum(h + b1_ref[...], 0.0)
    h = jnp.dot(h, w2_ref[...], preferred_element_type=jnp.float32)
    h = jnp.maximum(h + b2_ref[...], 0.0)
    o = jnp.sum(h * wp_ref[...], axis=1, keepdims=True)
    b_row = lax.broadcasted_iota(jnp.int32, (BLK, 128), 0)
    l_col = lax.broadcasted_iota(jnp.int32, (BLK, 128), 1)
    y = jnp.where(l_col == b_row % 128, o, 0.0)
    o_ref[...] = (jnp.sum(y.reshape(BLK // 128, 128, 128), axis=1)
                  + bp_ref[0, 0])


def _mlp(ci, ug, ig, W1u, W1i, b1, W2, b2, wp_row, bp, acc):
    grid = CHUNK_SIZES[ci] // BLK
    base = CHUNK_STARTS[ci] // BLK
    full = lambda shape: pl.BlockSpec(shape, lambda ib: (0, 0))
    in_specs = [
        pl.BlockSpec((BLK, D), lambda ib: (ib, 0)),
        pl.BlockSpec((BLK, D), lambda ib: (ib, 0)),
        full((D, 64)),
        full((D, 64)),
        full((1, 64)),
        full((64, 16)),
        full((1, 16)),
        full((1, 16)),
        full((1, 1)),
    ]
    args = [ug, ig, W1u, W1i, b1, W2, b2, wp_row, bp]
    aliases = {}
    if acc is not None:
        in_specs.append(pl.BlockSpec(memory_space=pl.ANY))
        args.append(acc)
        aliases = {9: 0}
    return pl.pallas_call(
        _mlp_body,
        grid=(grid,),
        in_specs=in_specs,
        out_specs=pl.BlockSpec((BLK // 128, 128),
                               lambda ib: (base + ib, 0)),
        out_shape=jax.ShapeDtypeStruct((B // 128, 128), jnp.float32),
        input_output_aliases=aliases,
        compiler_params=pltpu.CompilerParams(
            dimension_semantics=("parallel",)),
    )(*args)


@jax.jit
def kernel(U_ids, I_ids, user_table, item_table, W1, b1, W2, b2, Wp, bp):
    u32 = U_ids.astype(jnp.int32)
    i32 = I_ids.astype(jnp.int32)
    W1u = W1[:D]
    W1i = W1[D:]
    b1r = b1.reshape(1, 64)
    b2r = b2.reshape(1, 16)
    wpr = Wp.reshape(1, 16)
    bpr = bp.reshape(1, 1)
    acc = None
    for c in range(CNK):
        ug, ig = _sc_gather(c, u32, i32, user_table, item_table)
        acc = _mlp(c, ug, ig, W1u, W1i, b1r, W2, b2r, wpr, bpr, acc)
    return acc.reshape(B, 1)

# --- scband reference (transcript-rebuilt; emitter-appended) ---
"""Pipeline reference for scband-mlprecommender-1468878815417 (READ-ONLY COPY).

The authoritative reference and input builder live on the scoring server;
editing this copy changes nothing except your own understanding.
"""

import jax, jax.numpy as jnp
import numpy as np

N_USERS = 100000
N_ITEMS = 100000
EMBED_DIM = 128  # layers[0] // 2
BATCH = 16384


def setup_inputs(seed: int = 0) -> dict:
    key = jax.random.key(seed)
    ks = jax.random.split(key, 10)
    U_ids = jax.random.randint(ks[0], (BATCH,), 0, N_USERS, dtype=jnp.int64) if jax.config.jax_enable_x64 else jax.random.randint(ks[0], (BATCH,), 0, N_USERS, dtype=jnp.int32)
    I_ids = jax.random.randint(ks[1], (BATCH,), 0, N_ITEMS, dtype=U_ids.dtype)
    user_table = jax.random.normal(ks[2], (N_USERS, EMBED_DIM), dtype=jnp.float32) * 0.02
    item_table = jax.random.normal(ks[3], (N_ITEMS, EMBED_DIM), dtype=jnp.float32) * 0.02
    # MLP: layers = [256, 64, 16], then predict -> 1
    W1 = jax.random.normal(ks[4], (256, 64), dtype=jnp.float32) * (1.0 / np.sqrt(256))
    b1 = jnp.zeros((64,), dtype=jnp.float32)
    W2 = jax.random.normal(ks[5], (64, 16), dtype=jnp.float32) * (1.0 / np.sqrt(64))
    b2 = jnp.zeros((16,), dtype=jnp.float32)
    Wp = jax.random.normal(ks[6], (16, 1), dtype=jnp.float32) * (1.0 / np.sqrt(16))
    bp = jnp.zeros((1,), dtype=jnp.float32)
    return {
        "U_ids": U_ids,
        "I_ids": I_ids,
        "user_table": user_table,
        "item_table": item_table,
        "W1": W1, "b1": b1,
        "W2": W2, "b2": b2,
        "Wp": Wp, "bp": bp,
    }


def reference(U_ids, I_ids, user_table, item_table, W1, b1, W2, b2, Wp, bp):
    user_embeddings = jnp.take(user_table, U_ids, axis=0)   # [B, 128]
    item_embeddings = jnp.take(item_table, I_ids, axis=0)   # [B, 128]
    embeddings = jnp.concatenate([user_embeddings, item_embeddings], axis=1)  # [B, 256]
    h = jax.nn.relu(embeddings @ W1 + b1)  # [B, 64]
    h = jax.nn.relu(h @ W2 + b2)           # [B, 16]
    R = h @ Wp + bp                        # [B, 1]
    return R

if __name__ == "__main__":
    import jax
    _d = setup_inputs()
    print(jax.jit(kernel)(*tuple(_d.values())))

</pallas_src>

<mosaic_0001>
#map = affine_map<(d0, d1) -> (0)>
#map1 = affine_map<(d0, d1) -> (0, 0)>
module attributes {stable_mosaic.version = 14 : i64} {
  func.func @sc_embedding_gather(%arg0: i32, %arg1: i32, %arg2: memref<16384xi32, #tpu.memory_space<hbm>>, %arg3: memref<16384xi32, #tpu.memory_space<hbm>>, %arg4: memref<100000x128xf32, #tpu.memory_space<hbm>>, %arg5: memref<100000x128xf32, #tpu.memory_space<hbm>>, %arg6: memref<4096x128xf32, #tpu.memory_space<hbm>>, %arg7: memref<4096x128xf32, #tpu.memory_space<hbm>>, %arg8: memref<128xi32, #tpu.memory_space<vmem>>, %arg9: memref<128xi32, #tpu.memory_space<vmem>>, %arg10: memref<128x128xf32, #tpu.memory_space<vmem>>, %arg11: memref<128x128xf32, #tpu.memory_space<vmem>>, %arg12: memref<128x128xf32, #tpu.memory_space<vmem>>, %arg13: memref<128x128xf32, #tpu.memory_space<vmem>>, %arg14: memref<!tpu.dma_semaphore, #tpu.memory_space<semaphore_mem>>, %arg15: memref<!tpu.dma_semaphore, #tpu.memory_space<semaphore_mem>>, %arg16: memref<!tpu.dma_semaphore, #tpu.memory_space<semaphore_mem>>, %arg17: memref<!tpu.dma_semaphore, #tpu.memory_space<semaphore_mem>>, %arg18: memref<!tpu.dma_semaphore, #tpu.memory_space<semaphore_mem>>, %arg19: memref<!tpu.dma_semaphore, #tpu.memory_space<semaphore_mem>>, %arg20: memref<!tpu.dma_semaphore, #tpu.memory_space<semaphore_mem>>, %arg21: memref<!tpu.dma_semaphore, #tpu.memory_space<semaphore_mem>>) attributes {dimension_semantics = [#tpu.dimension_semantics<core_parallel>, #tpu.dimension_semantics<subcore_parallel>], iteration_bounds = array<i64: 2, 16>, scalar_prefetch = 0 : i64, scratch_operands = 14 : i64, tpu.core_type = #tpu.core_type<sc_vector_subcore>, window_params = [{transform_indices = #map}, {transform_indices = #map}, {transform_indices = #map1}, {transform_indices = #map1}, {transform_indices = #map1}, {transform_indices = #map1}]} {
    %mul3A = arith.constant 2 : i32
    %mul3A_0 = arith.muli %arg1, %mul3A : i32
    %add3A = arith.addi %mul3A_0, %arg0 : i32
    %mul3A_1 = arith.constant 128 : i32
    %mul3A_2 = arith.muli %add3A, %mul3A_1 : i32
    %add3A_3 = arith.constant 12288 : i32
    %add3A_4 = arith.addi %add3A_3, %mul3A_2 : i32
    "tpu.region"() ({
      %run_scoped3A = tpu.sem_alloc : memref<!tpu.dma_semaphore, #tpu.memory_space<semaphore_mem>>
      %dma_start3A_45 = tpu.memref_slice %arg2[%add3A_4] : memref<16384xi32, #tpu.memory_space<hbm>> -> memref<128xi32, #tpu.memory_space<hbm>>
      %dma_start3A_46 = tpu.memref_slice %arg2[%add3A_4] : memref<16384xi32, #tpu.memory_space<hbm>> -> memref<128xi32, #tpu.memory_space<hbm>>
      tpu.enqueue_dma source(%dma_start3A_46 : memref<128xi32, #tpu.memory_space<hbm>>) target(%arg8 : memref<128xi32, #tpu.memory_space<vmem>>) target_semaphore(%run_scoped3A : memref<!tpu.dma_semaphore, #tpu.memory_space<semaphore_mem>>)
      %dma_wait3A_47 = tpu.memref_slice %arg2[%add3A_4] : memref<16384xi32, #tpu.memory_space<hbm>> -> memref<128xi32, #tpu.memory_space<hbm>>
      %dma_wait3A_48 = tpu.memref_slice %arg2[%add3A_4] : memref<16384xi32, #tpu.memory_space<hbm>> -> memref<128xi32, #tpu.memory_space<hbm>>
      tpu.wait_dma2 semaphore(%run_scoped3A : memref<!tpu.dma_semaphore, #tpu.memory_space<semaphore_mem>>) src(%dma_wait3A_48 : memref<128xi32, #tpu.memory_space<hbm>>) dst(%arg8 : memref<128xi32, #tpu.memory_space<vmem>>)
      tpu.yield
    }) : () -> ()
    %add3A_5 = arith.constant 12288 : i32
    %add3A_6 = arith.addi %add3A_5, %mul3A_2 : i32
    "tpu.region"() ({
      %run_scoped3A = tpu.sem_alloc : memref<!tpu.dma_semaphore, #tpu.memory_space<semaphore_mem>>
      %dma_start3A_45 = tpu.memref_slice %arg3[%add3A_6] : memref<16384xi32, #tpu.memory_space<hbm>> -> memref<128xi32, #tpu.memory_space<hbm>>
      %dma_start3A_46 = tpu.memref_slice %arg3[%add3A_6] : memref<16384xi32, #tpu.memory_space<hbm>> -> memref<128xi32, #tpu.memory_space<hbm>>
      tpu.enqueue_dma source(%dma_start3A_46 : memref<128xi32, #tpu.memory_space<hbm>>) target(%arg9 : memref<128xi32, #tpu.memory_space<vmem>>) target_semaphore(%run_scoped3A : memref<!tpu.dma_semaphore, #tpu.memory_space<semaphore_mem>>)
      %dma_wait3A_47 = tpu.memref_slice %arg3[%add3A_6] : memref<16384xi32, #tpu.memory_space<hbm>> -> memref<128xi32, #tpu.memory_space<hbm>>
      %dma_wait3A_48 = tpu.memref_slice %arg3[%add3A_6] : memref<16384xi32, #tpu.memory_space<hbm>> -> memref<128xi32, #tpu.memory_space<hbm>>
      tpu.wait_dma2 semaphore(%run_scoped3A : memref<!tpu.dma_semaphore, #tpu.memory_space<semaphore_mem>>) src(%dma_wait3A_48 : memref<128xi32, #tpu.memory_space<hbm>>) dst(%arg9 : memref<128xi32, #tpu.memory_space<vmem>>)
      tpu.yield
    }) : () -> ()
    %dma_start3A = arith.constant 0 : i32
    %dma_start3A_7 = tpu.memref_slice %arg8[%dma_start3A] : memref<128xi32, #tpu.memory_space<vmem>> -> memref<128xi32, #tpu.memory_space<vmem>>
    %dma_start3A_8 = arith.constant 0 : i32
    %dma_start3A_9 = arith.constant 0 : i32
    %dma_start3A_10 = tpu.memref_slice %arg4[%dma_start3A_8, %dma_start3A_9] : memref<100000x128xf32, #tpu.memory_space<hbm>> -> memref<100000x128xf32, #tpu.memory_space<hbm>>
    tpu.enqueue_indirect_dma source(%dma_start3A_10 : memref<100000x128xf32, #tpu.memory_space<hbm>>) target(%arg10 : memref<128x128xf32, #tpu.memory_space<vmem>>) offsets(%dma_start3A_7 : memref<128xi32, #tpu.memory_space<vmem>>) semaphore(%arg14 : memref<!tpu.dma_semaphore, #tpu.memory_space<semaphore_mem>>)
    %dma_start3A_11 = arith.constant 0 : i32
    %dma_start3A_12 = tpu.memref_slice %arg9[%dma_start3A_11] : memref<128xi32, #tpu.memory_space<vmem>> -> memref<128xi32, #tpu.memory_space<vmem>>
    %dma_start3A_13 = arith.constant 0 : i32
    %dma_start3A_14 = arith.constant 0 : i32
    %dma_start3A_15 = tpu.memref_slice %arg5[%dma_start3A_13, %dma_start3A_14] : memref<100000x128xf32, #tpu.memory_space<hbm>> -> memref<100000x128xf32, #tpu.memory_space<hbm>>
    tpu.enqueue_indirect_dma source(%dma_start3A_15 : memref<100000x128xf32, #tpu.memory_space<hbm>>) target(%arg11 : memref<128x128xf32, #tpu.memory_space<vmem>>) offsets(%dma_start3A_12 : memref<128xi32, #tpu.memory_space<vmem>>) semaphore(%arg15 : memref<!tpu.dma_semaphore, #tpu.memory_space<semaphore_mem>>)
    %dma_wait3A = arith.constant 0 : i32
    %dma_wait3A_16 = tpu.memref_slice %arg8[%dma_wait3A] : memref<128xi32, #tpu.memory_space<vmem>> -> memref<128xi32, #tpu.memory_space<vmem>>
    %dma_wait3A_17 = arith.constant 0 : i32
    %dma_wait3A_18 = arith.constant 0 : i32
    %dma_wait3A_19 = tpu.memref_slice %arg4[%dma_wait3A_17, %dma_wait3A_18] : memref<100000x128xf32, #tpu.memory_space<hbm>> -> memref<100000x128xf32, #tpu.memory_space<hbm>>
    tpu.wait_indirect_dma semaphore(%arg14 : memref<!tpu.dma_semaphore, #tpu.memory_space<semaphore_mem>>) src(%dma_wait3A_19 : memref<100000x128xf32, #tpu.memory_space<hbm>>) dst(%arg10 : memref<128x128xf32, #tpu.memory_space<vmem>>)
    %add3A_20 = arith.constant 0 : i32
    %add3A_21 = arith.addi %mul3A_2, %add3A_20 : i32
    %dma_start3A_22 = arith.constant 0 : i32
    %dma_start3A_23 = tpu.memref_slice %arg6[%add3A_21, %dma_start3A_22] : memref<4096x128xf32, #tpu.memory_space<hbm>> -> memref<128x128xf32, #tpu.memory_space<hbm>>
    %dma_start3A_24 = arith.constant 0 : i32
    %dma_start3A_25 = tpu.memref_slice %arg6[%add3A_21, %dma_start3A_24] : memref<4096x128xf32, #tpu.memory_space<hbm>> -> memref<128x128xf32, #tpu.memory_space<hbm>>
    tpu.enqueue_dma source(%arg10 : memref<128x128xf32, #tpu.memory_space<vmem>>) target(%dma_start3A_25 : memref<128x128xf32, #tpu.memory_space<hbm>>) target_semaphore(%arg18 : memref<!tpu.dma_semaphore, #tpu.memory_space<semaphore_mem>>)
    %dma_wait3A_26 = arith.constant 0 : i32
    %dma_wait3A_27 = tpu.memref_slice %arg9[%dma_wait3A_26] : memref<128xi32, #tpu.memory_space<vmem>> -> memref<128xi32, #tpu.memory_space<vmem>>
    %dma_wait3A_28 = arith.constant 0 : i32
    %dma_wait3A_29 = arith.constant 0 : i32
    %dma_wait3A_30 = tpu.memref_slice %arg5[%dma_wait3A_28, %dma_wait3A_29] : memref<100000x128xf32, #tpu.memory_space<hbm>> -> memref<100000x128xf32, #tpu.memory_space<hbm>>
    tpu.wait_indirect_dma semaphore(%arg15 : memref<!tpu.dma_semaphore, #tpu.memory_space<semaphore_mem>>) src(%dma_wait3A_30 : memref<100000x128xf32, #tpu.memory_space<hbm>>) dst(%arg11 : memref<128x128xf32, #tpu.memory_space<vmem>>)
    %add3A_31 = arith.constant 0 : i32
    %add3A_32 = arith.addi %mul3A_2, %add3A_31 : i32
    %dma_start3A_33 = arith.constant 0 : i32
    %dma_start3A_34 = tpu.memref_slice %arg7[%add3A_32, %dma_start3A_33] : memref<4096x128xf32, #tpu.memory_space<hbm>> -> memref<128x128xf32, #tpu.memory_space<hbm>>
    %dma_start3A_35 = arith.constant 0 : i32
    %dma_start3A_36 = tpu.memref_slice %arg7[%add3A_32, %dma_start3A_35] : memref<4096x128xf32, #tpu.memory_space<hbm>> -> memref<128x128xf32, #tpu.memory_space<hbm>>
    tpu.enqueue_dma source(%arg11 : memref<128x128xf32, #tpu.memory_space<vmem>>) target(%dma_start3A_36 : memref<128x128xf32, #tpu.memory_space<hbm>>) target_semaphore(%arg19 : memref<!tpu.dma_semaphore, #tpu.memory_space<semaphore_mem>>)
    %dma_wait3A_37 = arith.constant 0 : i32
    %dma_wait3A_38 = tpu.memref_slice %arg6[%add3A_21, %dma_wait3A_37] : memref<4096x128xf32, #tpu.memory_space<hbm>> -> memref<128x128xf32, #tpu.memory_space<hbm>>
    %dma_wait3A_39 = arith.constant 0 : i32
    %dma_wait3A_40 = tpu.memref_slice %arg6[%add3A_21, %dma_wait3A_39] : memref<4096x128xf32, #tpu.memory_space<hbm>> -> memref<128x128xf32, #tpu.memory_space<hbm>>
    tpu.wait_dma2 semaphore(%arg18 : memref<!tpu.dma_semaphore, #tpu.memory_space<semaphore_mem>>) src(%arg10 : memref<128x128xf32, #tpu.memory_space<vmem>>) dst(%dma_wait3A_40 : memref<128x128xf32, #tpu.memory_space<hbm>>)
    %dma_wait3A_41 = arith.constant 0 : i32
    %dma_wait3A_42 = tpu.memref_slice %arg7[%add3A_32, %dma_wait3A_41] : memref<4096x128xf32, #tpu.memory_space<hbm>> -> memref<128x128xf32, #tpu.memory_space<hbm>>
    %dma_wait3A_43 = arith.constant 0 : i32
    %dma_wait3A_44 = tpu.memref_slice %arg7[%add3A_32, %dma_wait3A_43] : memref<4096x128xf32, #tpu.memory_space<hbm>> -> memref<128x128xf32, #tpu.memory_space<hbm>>
    tpu.wait_dma2 semaphore(%arg19 : memref<!tpu.dma_semaphore, #tpu.memory_space<semaphore_mem>>) src(%arg11 : memref<128x128xf32, #tpu.memory_space<vmem>>) dst(%dma_wait3A_44 : memref<128x128xf32, #tpu.memory_space<hbm>>)
    return
  }
}

#map = affine_map<(d0, d1) -> (0)>
#map1 = affine_map<(d0, d1) -> (0, 0)>
module attributes {stable_mosaic.version = 14 : i64} {
  func.func @sc_embedding_gather(%arg0: i32, %arg1: i32, %arg2: memref<16384xi32, #tpu.memory_space<hbm>>, %arg3: memref<16384xi32, #tpu.memory_space<hbm>>, %arg4: memref<100000x128xf32, #tpu.memory_space<hbm>>, %arg5: memref<100000x128xf32, #tpu.memory_space<hbm>>, %arg6: memref<12288x128xf32, #tpu.memory_space<hbm>>, %arg7: memref<12288x128xf32, #tpu.memory_space<hbm>>, %arg8: memref<384xi32, #tpu.memory_space<vmem>>, %arg9: memref<384xi32, #tpu.memory_space<vmem>>, %arg10: memref<128x128xf32, #tpu.memory_space<vmem>>, %arg11: memref<128x128xf32, #tpu.memory_space<vmem>>, %arg12: memref<128x128xf32, #tpu.memory_space<vmem>>, %arg13: memref<128x128xf32, #tpu.memory_space<vmem>>, %arg14: memref<!tpu.dma_semaphore, #tpu.memory_space<semaphore_mem>>, %arg15: memref<!tpu.dma_semaphore, #tpu.memory_space<semaphore_mem>>, %arg16: memref<!tpu.dma_semaphore, #tpu.memory_space<semaphore_mem>>, %arg17: memref<!tpu.dma_semaphore, #tpu.memory_space<semaphore_mem>>, %arg18: memref<!tpu.dma_semaphore, #tpu.memory_space<semaphore_mem>>, %arg19: memref<!tpu.dma_semaphore, #tpu.memory_space<semaphore_mem>>, %arg20: memref<!tpu.dma_semaphore, #tpu.memory_space<semaphore_mem>>, %arg21: memref<!tpu.dma_semaphore, #tpu.memory_space<semaphore_mem>>) attributes {dimension_semantics = [#tpu.dimension_semantics<core_parallel>, #tpu.dimension_semantics<subcore_parallel>], iteration_bounds = array<i64: 2, 16>, scalar_prefetch = 0 : i64, scratch_operands = 14 : i64, tpu.core_type = #tpu.core_type<sc_vector_subcore>, window_params = [{transform_indices = #map}, {transform_indices = #map}, {transform_indices = #map1}, {transform_indices = #map1}, {transform_indices = #map1}, {transform_indices = #map1}]} {
    %mul3A = arith.constant 2 : i32
    %mul3A_0 = arith.muli %arg1, %mul3A : i32
    %add3A = arith.addi %mul3A_0, %arg0 : i32
    %mul3A_1 = arith.constant 384 : i32
    %mul3A_2 = arith.muli %add3A, %mul3A_1 : i32
    %add3A_3 = arith.constant 0 : i32
    %add3A_4 = arith.addi %add3A_3, %mul3A_2 : i32
    "tpu.region"() ({
      %run_scoped3A = tpu.sem_alloc : memref<!tpu.dma_semaphore, #tpu.memory_space<semaphore_mem>>
      %dma_start3A_125 = tpu.memref_slice %arg2[%add3A_4] : memref<16384xi32, #tpu.memory_space<hbm>> -> memref<384xi32, #tpu.memory_space<hbm>>
      %dma_start3A_126 = tpu.memref_slice %arg2[%add3A_4] : memref<16384xi32, #tpu.memory_space<hbm>> -> memref<384xi32, #tpu.memory_space<hbm>>
      tpu.enqueue_dma source(%dma_start3A_126 : memref<384xi32, #tpu.memory_space<hbm>>) target(%arg8 : memref<384xi32, #tpu.memory_space<vmem>>) target_semaphore(%run_scoped3A : memref<!tpu.dma_semaphore, #tpu.memory_space<semaphore_mem>>)
      %dma_wait3A_127 = tpu.memref_slice %arg2[%add3A_4] : memref<16384xi32, #tpu.memory_space<hbm>> -> memref<384xi32, #tpu.memory_space<hbm>>
      %dma_wait3A_128 = tpu.memref_slice %arg2[%add3A_4] : memref<16384xi32, #tpu.memory_space<hbm>> -> memref<384xi32, #tpu.memory_space<hbm>>
      tpu.wait_dma2 semaphore(%run_scoped3A : memref<!tpu.dma_semaphore, #tpu.memory_space<semaphore_mem>>) src(%dma_wait3A_128 : memref<384xi32, #tpu.memory_space<hbm>>) dst(%arg8 : memref<384xi32, #tpu.memory_space<vmem>>)
      tpu.yield
    }) : () -> ()
    %add3A_5 = arith.constant 0 : i32
    %add3A_6 = arith.addi %add3A_5, %mul3A_2 : i32
    "tpu.region"() ({
      %run_scoped3A = tpu.sem_alloc : memref<!tpu.dma_semaphore, #tpu.memory_space<semaphore_mem>>
      %dma_start3A_125 = tpu.memref_slice %arg3[%add3A_6] : memref<16384xi32, #tpu.memory_space<hbm>> -> memref<384xi32, #tpu.memory_space<hbm>>
      %dma_start3A_126 = tpu.memref_slice %arg3[%add3A_6] : memref<16384xi32, #tpu.memory_space<hbm>> -> memref<384xi32, #tpu.memory_space<hbm>>
      tpu.enqueue_dma source(%dma_start3A_126 : memref<384xi32, #tpu.memory_space<hbm>>) target(%arg9 : memref<384xi32, #tpu.memory_space<vmem>>) target_semaphore(%run_scoped3A : memref<!tpu.dma_semaphore, #tpu.memory_space<semaphore_mem>>)
      %dma_wait3A_127 = tpu.memref_slice %arg3[%add3A_6] : memref<16384xi32, #tpu.memory_space<hbm>> -> memref<384xi32, #tpu.memory_space<hbm>>
      %dma_wait3A_128 = tpu.memref_slice %arg3[%add3A_6] : memref<16384xi32, #tpu.memory_space<hbm>> -> memref<384xi32, #tpu.memory_space<hbm>>
      tpu.wait_dma2 semaphore(%run_scoped3A : memref<!tpu.dma_semaphore, #tpu.memory_space<semaphore_mem>>) src(%dma_wait3A_128 : memref<384xi32, #tpu.memory_space<hbm>>) dst(%arg9 : memref<384xi32, #tpu.memory_space<vmem>>)
      tpu.yield
    }) : () -> ()
    %dma_start3A = arith.constant 0 : i32
    %dma_start3A_7 = tpu.memref_slice %arg8[%dma_start3A] : memref<384xi32, #tpu.memory_space<vmem>> -> memref<128xi32, #tpu.memory_space<vmem>>
    %dma_start3A_8 = arith.constant 0 : i32
    %dma_start3A_9 = arith.constant 0 : i32
    %dma_start3A_10 = tpu.memref_slice %arg4[%dma_start3A_8, %dma_start3A_9] : memref<100000x128xf32, #tpu.memory_space<hbm>> -> memref<100000x128xf32, #tpu.memory_space<hbm>>
    tpu.enqueue_indirect_dma source(%dma_start3A_10 : memref<100000x128xf32, #tpu.memory_space<hbm>>) target(%arg10 : memref<128x128xf32, #tpu.memory_space<vmem>>) offsets(%dma_start3A_7 : memref<128xi32, #tpu.memory_space<vmem>>) semaphore(%arg14 : memref<!tpu.dma_semaphore, #tpu.memory_space<semaphore_mem>>)
    %dma_start3A_11 = arith.constant 128 : i32
    %dma_start3A_12 = tpu.memref_slice %arg8[%dma_start3A_11] : memref<384xi32, #tpu.memory_space<vmem>> -> memref<128xi32, #tpu.memory_space<vmem>>
    %dma_start3A_13 = arith.constant 0 : i32
    %dma_start3A_14 = arith.constant 0 : i32
    %dma_start3A_15 = tpu.memref_slice %arg4[%dma_start3A_13, %dma_start3A_14] : memref<100000x128xf32, #tpu.memory_space<hbm>> -> memref<100000x128xf32, #tpu.memory_space<hbm>>
    tpu.enqueue_indirect_dma source(%dma_start3A_15 : memref<100000x128xf32, #tpu.memory_space<hbm>>) target(%arg11 : memref<128x128xf32, #tpu.memory_space<vmem>>) offsets(%dma_start3A_12 : memref<128xi32, #tpu.memory_space<vmem>>) semaphore(%arg15 : memref<!tpu.dma_semaphore, #tpu.memory_space<semaphore_mem>>)
    %dma_start3A_16 = arith.constant 256 : i32
    %dma_start3A_17 = tpu.memref_slice %arg8[%dma_start3A_16] : memref<384xi32, #tpu.memory_space<vmem>> -> memref<128xi32, #tpu.memory_space<vmem>>
    %dma_start3A_18 = arith.constant 0 : i32
    %dma_start3A_19 = arith.constant 0 : i32
    %dma_start3A_20 = tpu.memref_slice %arg4[%dma_start3A_18, %dma_start3A_19] : memref<100000x128xf32, #tpu.memory_space<hbm>> -> memref<100000x128xf32, #tpu.memory_space<hbm>>
    tpu.enqueue_indirect_dma source(%dma_start3A_20 : memref<100000x128xf32, #tpu.memory_space<hbm>>) target(%arg12 : memref<128x128xf32, #tpu.memory_space<vmem>>) offsets(%dma_start3A_17 : memref<128xi32, #tpu.memory_space<vmem>>) semaphore(%arg16 : memref<!tpu.dma_semaphore, #tpu.memory_space<semaphore_mem>>)
    %dma_wait3A = arith.constant 0 : i32
    %dma_wait3A_21 = tpu.memref_slice %arg8[%dma_wait3A] : memref<384xi32, #tpu.memory_space<vmem>> -> memref<128xi32, #tpu.memory_space<vmem>>
    %dma_wait3A_22 = arith.constant 0 : i32
    %dma_wait3A_23 = arith.constant 0 : i32
    %dma_wait3A_24 = tpu.memref_slice %arg4[%dma_wait3A_22, %dma_wait3A_23] : memref<100000x128xf32, #tpu.memory_space<hbm>> -> memref<100000x128xf32, #tpu.memory_space<hbm>>
    tpu.wait_indirect_dma semaphore(%arg14 : memref<!tpu.dma_semaphore, #tpu.memory_space<semaphore_mem>>) src(%dma_wait3A_24 : memref<100000x128xf32, #tpu.memory_space<hbm>>) dst(%arg10 : memref<128x128xf32, #tpu.memory_space<vmem>>)
    %add3A_25 = arith.constant 0 : i32
    %add3A_26 = arith.addi %mul3A_2, %add3A_25 : i32
    %dma_start3A_27 = arith.constant 0 : i32
    %dma_start3A_28 = tpu.memref_slice %arg6[%add3A_26, %dma_start3A_27] : memref<12288x128xf32, #tpu.memory_space<hbm>> -> memref<128x128xf32, #tpu.memory_space<hbm>>
    %dma_start3A_29 = arith.constant 0 : i32
    %dma_start3A_30 = tpu.memref_slice %arg6[%add3A_26, %dma_start3A_29] : memref<12288x128xf32, #tpu.memory_space<hbm>> -> memref<128x128xf32, #tpu.memory_space<hbm>>
    tpu.enqueue_dma source(%arg10 : memref<128x128xf32, #tpu.memory_space<vmem>>) target(%dma_start3A_30 : memref<128x128xf32, #tpu.memory_space<hbm>>) target_semaphore(%arg18 : memref<!tpu.dma_semaphore, #tpu.memory_space<semaphore_mem>>)
    %dma_start3A_31 = arith.constant 0 : i32
    %dma_start3A_32 = tpu.memref_slice %arg9[%dma_start3A_31] : memref<384xi32, #tpu.memory_space<vmem>> -> memref<128xi32, #tpu.memory_space<vmem>>
    %dma_start3A_33 = arith.constant 0 : i32
    %dma_start3A_34 = arith.constant 0 : i32
    %dma_start3A_35 = tpu.memref_slice %arg5[%dma_start3A_33, %dma_start3A_34] : memref<100000x128xf32, #tpu.memory_space<hbm>> -> memref<100000x128xf32, #tpu.memory_space<hbm>>
    tpu.enqueue_indirect_dma source(%dma_start3A_35 : memref<100000x128xf32, #tpu.memory_space<hbm>>) target(%arg13 : memref<128x128xf32, #tpu.memory_space<vmem>>) offsets(%dma_start3A_32 : memref<128xi32, #tpu.memory_space<vmem>>) semaphore(%arg17 : memref<!tpu.dma_semaphore, #tpu.memory_space<semaphore_mem>>)
    %dma_wait3A_36 = arith.constant 128 : i32
    %dma_wait3A_37 = tpu.memref_slice %arg8[%dma_wait3A_36] : memref<384xi32, #tpu.memory_space<vmem>> -> memref<128xi32, #tpu.memory_space<vmem>>
    %dma_wait3A_38 = arith.constant 0 : i32
    %dma_wait3A_39 = arith.constant 0 : i32
    %dma_wait3A_40 = tpu.memref_slice %arg4[%dma_wait3A_38, %dma_wait3A_39] : memref<100000x128xf32, #tpu.memory_space<hbm>> -> memref<100000x128xf32, #tpu.memory_space<hbm>>
    tpu.wait_indirect_dma semaphore(%arg15 : memref<!tpu.dma_semaphore, #tpu.memory_space<semaphore_mem>>) src(%dma_wait3A_40 : memref<100000x128xf32, #tpu.memory_space<hbm>>) dst(%arg11 : memref<128x128xf32, #tpu.memory_space<vmem>>)
    %add3A_41 = arith.constant 128 : i32
    %add3A_42 = arith.addi %mul3A_2, %add3A_41 : i32
    %dma_start3A_43 = arith.constant 0 : i32
    %dma_start3A_44 = tpu.memref_slice %arg6[%add3A_42, %dma_start3A_43] : memref<12288x128xf32, #tpu.memory_space<hbm>> -> memref<128x128xf32, #tpu.memory_space<hbm>>
    %dma_start3A_45 = arith.constant 0 : i32
    %dma_start3A_46 = tpu.memref_slice %arg6[%add3A_42, %dma_start3A_45] : memref<12288x128xf32, #tpu.memory_space<hbm>> -> memref<128x128xf32, #tpu.memory_space<hbm>>
    tpu.enqueue_dma source(%arg11 : memref<128x128xf32, #tpu.memory_space<vmem>>) target(%dma_start3A_46 : memref<128x128xf32, #tpu.memory_space<hbm>>) target_semaphore(%arg19 : memref<!tpu.dma_semaphore, #tpu.memory_space<semaphore_mem>>)
    %dma_wait3A_47 = arith.constant 0 : i32
    %dma_wait3A_48 = tpu.memref_slice %arg6[%add3A_26, %dma_wait3A_47] : memref<12288x128xf32, #tpu.memory_space<hbm>> -> memref<128x128xf32, #tpu.memory_space<hbm>>
    %dma_wait3A_49 = arith.constant 0 : i32
    %dma_wait3A_50 = tpu.memref_slice %arg6[%add3A_26, %dma_wait3A_49] : memref<12288x128xf32, #tpu.memory_space<hbm>> -> memref<128x128xf32, #tpu.memory_space<hbm>>
    tpu.wait_dma2 semaphore(%arg18 : memref<!tpu.dma_semaphore, #tpu.memory_space<semaphore_mem>>) src(%arg10 : memref<128x128xf32, #tpu.memory_space<vmem>>) dst(%dma_wait3A_50 : memref<128x128xf32, #tpu.memory_space<hbm>>)
    %dma_start3A_51 = arith.constant 128 : i32
    %dma_start3A_52 = tpu.memref_slice %arg9[%dma_start3A_51] : memref<384xi32, #tpu.memory_space<vmem>> -> memref<128xi32, #tpu.memory_space<vmem>>
    %dma_start3A_53 = arith.constant 0 : i32
    %dma_start3A_54 = arith.constant 0 : i32
    %dma_start3A_55 = tpu.memref_slice %arg5[%dma_start3A_53, %dma_start3A_54] : memref<100000x128xf32, #tpu.memory_space<hbm>> -> memref<100000x128xf32, #tpu.memory_space<hbm>>
    tpu.enqueue_indirect_dma source(%dma_start3A_55 : memref<100000x128xf32, #tpu.memory_space<hbm>>) target(%arg10 : memref<128x128xf32, #tpu.memory_space<vmem>>) offsets(%dma_start3A_52 : memref<128xi32, #tpu.memory_space<vmem>>) semaphore(%arg14 : memref<!tpu.dma_semaphore, #tpu.memory_space<semaphore_mem>>)
    %dma_wait3A_56 = arith.constant 256 : i32
    %dma_wait3A_57 = tpu.memref_slice %arg8[%dma_wait3A_56] : memref<384xi32, #tpu.memory_space<vmem>> -> memref<128xi32, #tpu.memory_space<vmem>>
    %dma_wait3A_58 = arith.constant 0 : i32
    %dma_wait3A_59 = arith.constant 0 : i32
    %dma_wait3A_60 = tpu.memref_slice %arg4[%dma_wait3A_58, %dma_wait3A_59] : memref<100000x128xf32, #tpu.memory_space<hbm>> -> memref<100000x128xf32, #tpu.memory_space<hbm>>
    tpu.wait_indirect_dma semaphore(%arg16 : memref<!tpu.dma_semaphore, #tpu.memory_space<semaphore_mem>>) src(%dma_wait3A_60 : memref<100000x128xf32, #tpu.memory_space<hbm>>) dst(%arg12 : memref<128x128xf32, #tpu.memory_space<vmem>>)
    %add3A_61 = arith.constant 256 : i32
    %add3A_62 = arith.addi %mul3A_2, %add3A_61 : i32
    %dma_start3A_63 = arith.constant 0 : i32
    %dma_start3A_64 = tpu.memref_slice %arg6[%add3A_62, %dma_start3A_63] : memref<12288x128xf32, #tpu.memory_space<hbm>> -> memref<128x128xf32, #tpu.memory_space<hbm>>
    %dma_start3A_65 = arith.constant 0 : i32
    %dma_start3A_66 = tpu.memref_slice %arg6[%add3A_62, %dma_start3A_65] : memref<12288x128xf32, #tpu.memory_space<hbm>> -> memref<128x128xf32, #tpu.memory_space<hbm>>
    tpu.enqueue_dma source(%arg12 : memref<128x128xf32, #tpu.memory_space<vmem>>) target(%dma_start3A_66 : memref<128x128xf32, #tpu.memory_space<hbm>>) target_semaphore(%arg20 : memref<!tpu.dma_semaphore, #tpu.memory_space<semaphore_mem>>)
    %dma_wait3A_67 = arith.constant 0 : i32
    %dma_wait3A_68 = tpu.memref_slice %arg6[%add3A_42, %dma_wait3A_67] : memref<12288x128xf32, #tpu.memory_space<hbm>> -> memref<128x128xf32, #tpu.memory_space<hbm>>
    %dma_wait3A_69 = arith.constant 0 : i32
    %dma_wait3A_70 = tpu.memref_slice %arg6[%add3A_42, %dma_wait3A_69] : memref<12288x128xf32, #tpu.memory_space<hbm>> -> memref<128x128xf32, #tpu.memory_space<hbm>>
    tpu.wait_dma2 semaphore(%arg19 : memref<!tpu.dma_semaphore, #tpu.memory_space<semaphore_mem>>) src(%arg11 : memref<128x128xf32, #tpu.memory_space<vmem>>) dst(%dma_wait3A_70 : memref<128x128xf32, #tpu.memory_space<hbm>>)
    %dma_start3A_71 = arith.constant 256 : i32
    %dma_start3A_72 = tpu.memref_slice %arg9[%dma_start3A_71] : memref<384xi32, #tpu.memory_space<vmem>> -> memref<128xi32, #tpu.memory_space<vmem>>
    %dma_start3A_73 = arith.constant 0 : i32
    %dma_start3A_74 = arith.constant 0 : i32
    %dma_start3A_75 = tpu.memref_slice %arg5[%dma_start3A_73, %dma_start3A_74] : memref<100000x128xf32, #tpu.memory_space<hbm>> -> memref<100000x128xf32, #tpu.memory_space<hbm>>
    tpu.enqueue_indirect_dma source(%dma_start3A_75 : memref<100000x128xf32, #tpu.memory_space<hbm>>) target(%arg11 : memref<128x128xf32, #tpu.memory_space<vmem>>) offsets(%dma_start3A_72 : memref<128xi32, #tpu.memory_space<vmem>>) semaphore(%arg15 : memref<!tpu.dma_semaphore, #tpu.memory_space<semaphore_mem>>)
    %dma_wait3A_76 = arith.constant 0 : i32
    %dma_wait3A_77 = tpu.memref_slice %arg9[%dma_wait3A_76] : memref<384xi32, #tpu.memory_space<vmem>> -> memref<128xi32, #tpu.memory_space<vmem>>
    %dma_wait3A_78 = arith.constant 0 : i32
    %dma_wait3A_79 = arith.constant 0 : i32
    %dma_wait3A_80 = tpu.memref_slice %arg5[%dma_wait3A_78, %dma_wait3A_79] : memref<100000x128xf32, #tpu.memory_space<hbm>> -> memref<100000x128xf32, #tpu.memory_space<hbm>>
    tpu.wait_indirect_dma semaphore(%arg17 : memref<!tpu.dma_semaphore, #tpu.memory_space<semaphore_mem>>) src(%dma_wait3A_80 : memref<100000x128xf32, #tpu.memory_space<hbm>>) dst(%arg13 : memref<128x128xf32, #tpu.memory_space<vmem>>)
    %add3A_81 = arith.constant 0 : i32
    %add3A_82 = arith.addi %mul3A_2, %add3A_81 : i32
    %dma_start3A_83 = arith.constant 0 : i32
    %dma_start3A_84 = tpu.memref_slice %arg7[%add3A_82, %dma_start3A_83] : memref<12288x128xf32, #tpu.memory_space<hbm>> -> memref<128x128xf32, #tpu.memory_space<hbm>>
    %dma_start3A_85 = arith.constant 0 : i32
    %dma_start3A_86 = tpu.memref_slice %arg7[%add3A_82, %dma_start3A_85] : memref<12288x128xf32, #tpu.memory_space<hbm>> -> memref<128x128xf32, #tpu.memory_space<hbm>>
    tpu.enqueue_dma source(%arg13 : memref<128x128xf32, #tpu.memory_space<vmem>>) target(%dma_start3A_86 : memref<128x128xf32, #tpu.memory_space<hbm>>) target_semaphore(%arg21 : memref<!tpu.dma_semaphore, #tpu.memory_space<semaphore_mem>>)
    %dma_wait3A_87 = arith.constant 128 : i32
    %dma_wait3A_88 = tpu.memref_slice %arg9[%dma_wait3A_87] : memref<384xi32, #tpu.memory_space<vmem>> -> memref<128xi32, #tpu.memory_space<vmem>>
    %dma_wait3A_89 = arith.constant 0 : i32
    %dma_wait3A_90 = arith.constant 0 : i32
    %dma_wait3A_91 = tpu.memref_slice %arg5[%dma_wait3A_89, %dma_wait3A_90] : memref<100000x128xf32, #tpu.memory_space<hbm>> -> memref<100000x128xf32, #tpu.memory_space<hbm>>
    tpu.wait_indirect_dma semaphore(%arg14 : memref<!tpu.dma_semaphore, #tpu.memory_space<semaphore_mem>>) src(%dma_wait3A_91 : memref<100000x128xf32, #tpu.memory_space<hbm>>) dst(%arg10 : memref<128x128xf32, #tpu.memory_space<vmem>>)
    %add3A_92 = arith.constant 128 : i32
    %add3A_93 = arith.addi %mul3A_2, %add3A_92 : i32
    %dma_start3A_94 = arith.constant 0 : i32
    %dma_start3A_95 = tpu.memref_slice %arg7[%add3A_93, %dma_start3A_94] : memref<12288x128xf32, #tpu.memory_space<hbm>> -> memref<128x128xf32, #tpu.memory_space<hbm>>
    %dma_start3A_96 = arith.constant 0 : i32
    %dma_start3A_97 = tpu.memref_slice %arg7[%add3A_93, %dma_start3A_96] : memref<12288x128xf32, #tpu.memory_space<hbm>> -> memref<128x128xf32, #tpu.memory_space<hbm>>
    tpu.enqueue_dma source(%arg10 : memref<128x128xf32, #tpu.memory_space<vmem>>) target(%dma_start3A_97 : memref<128x128xf32, #tpu.memory_space<hbm>>) target_semaphore(%arg18 : memref<!tpu.dma_semaphore, #tpu.memory_space<semaphore_mem>>)
    %dma_wait3A_98 = arith.constant 256 : i32
    %dma_wait3A_99 = tpu.memref_slice %arg9[%dma_wait3A_98] : memref<384xi32, #tpu.memory_space<vmem>> -> memref<128xi32, #tpu.memory_space<vmem>>
    %dma_wait3A_100 = arith.constant 0 : i32
    %dma_wait3A_101 = arith.constant 0 : i32
    %dma_wait3A_102 = tpu.memref_slice %arg5[%dma_wait3A_100, %dma_wait3A_101] : memref<100000x128xf32, #tpu.memory_space<hbm>> -> memref<100000x128xf32, #tpu.memory_space<hbm>>
    tpu.wait_indirect_dma semaphore(%arg15 : memref<!tpu.dma_semaphore, #tpu.memory_space<semaphore_mem>>) src(%dma_wait3A_102 : memref<100000x128xf32, #tpu.memory_space<hbm>>) dst(%arg11 : memref<128x128xf32, #tpu.memory_space<vmem>>)
    %add3A_103 = arith.constant 256 : i32
    %add3A_104 = arith.addi %mul3A_2, %add3A_103 : i32
    %dma_start3A_105 = arith.constant 0 : i32
    %dma_start3A_106 = tpu.memref_slice %arg7[%add3A_104, %dma_start3A_105] : memref<12288x128xf32, #tpu.memory_space<hbm>> -> memref<128x128xf32, #tpu.memory_space<hbm>>
    %dma_start3A_107 = arith.constant 0 : i32
    %dma_start3A_108 = tpu.memref_slice %arg7[%add3A_104, %dma_start3A_107] : memref<12288x128xf32, #tpu.memory_space<hbm>> -> memref<128x128xf32, #tpu.memory_space<hbm>>
    tpu.enqueue_dma source(%arg11 : memref<128x128xf32, #tpu.memory_space<vmem>>) target(%dma_start3A_108 : memref<128x128xf32, #tpu.memory_space<hbm>>) target_semaphore(%arg19 : memref<!tpu.dma_semaphore, #tpu.memory_space<semaphore_mem>>)
    %dma_wait3A_109 = arith.constant 0 : i32
    %dma_wait3A_110 = tpu.memref_slice %arg7[%add3A_93, %dma_wait3A_109] : memref<12288x128xf32, #tpu.memory_space<hbm>> -> memref<128x128xf32, #tpu.memory_space<hbm>>
    %dma_wait3A_111 = arith.constant 0 : i32
    %dma_wait3A_112 = tpu.memref_slice %arg7[%add3A_93, %dma_wait3A_111] : memref<12288x128xf32, #tpu.memory_space<hbm>> -> memref<128x128xf32, #tpu.memory_space<hbm>>
    tpu.wait_dma2 semaphore(%arg18 : memref<!tpu.dma_semaphore, #tpu.memory_space<semaphore_mem>>) src(%arg10 : memref<128x128xf32, #tpu.memory_space<vmem>>) dst(%dma_wait3A_112 : memref<128x128xf32, #tpu.memory_space<hbm>>)
    %dma_wait3A_113 = arith.constant 0 : i32
    %dma_wait3A_114 = tpu.memref_slice %arg7[%add3A_104, %dma_wait3A_113] : memref<12288x128xf32, #tpu.memory_space<hbm>> -> memref<128x128xf32, #tpu.memory_space<hbm>>
    %dma_wait3A_115 = arith.constant 0 : i32
    %dma_wait3A_116 = tpu.memref_slice %arg7[%add3A_104, %dma_wait3A_115] : memref<12288x128xf32, #tpu.memory_space<hbm>> -> memref<128x128xf32, #tpu.memory_space<hbm>>
    tpu.wait_dma2 semaphore(%arg19 : memref<!tpu.dma_semaphore, #tpu.memory_space<semaphore_mem>>) src(%arg11 : memref<128x128xf32, #tpu.memory_space<vmem>>) dst(%dma_wait3A_116 : memref<128x128xf32, #tpu.memory_space<hbm>>)
    %dma_wait3A_117 = arith.constant 0 : i32
    %dma_wait3A_118 = tpu.memref_slice %arg6[%add3A_62, %dma_wait3A_117] : memref<12288x128xf32, #tpu.memory_space<hbm>> -> memref<128x128xf32, #tpu.memory_space<hbm>>
    %dma_wait3A_119 = arith.constant 0 : i32
    %dma_wait3A_120 = tpu.memref_slice %arg6[%add3A_62, %dma_wait3A_119] : memref<12288x128xf32, #tpu.memory_space<hbm>> -> memref<128x128xf32, #tpu.memory_space<hbm>>
    tpu.wait_dma2 semaphore(%arg20 : memref<!tpu.dma_semaphore, #tpu.memory_space<semaphore_mem>>) src(%arg12 : memref<128x128xf32, #tpu.memory_space<vmem>>) dst(%dma_wait3A_120 : memref<128x128xf32, #tpu.memory_space<hbm>>)
    %dma_wait3A_121 = arith.constant 0 : i32
    %dma_wait3A_122 = tpu.memref_slice %arg7[%add3A_82, %dma_wait3A_121] : memref<12288x128xf32, #tpu.memory_space<hbm>> -> memref<128x128xf32, #tpu.memory_space<hbm>>
    %dma_wait3A_123 = arith.constant 0 : i32
    %dma_wait3A_124 = tpu.memref_slice %arg7[%add3A_82, %dma_wait3A_123] : memref<12288x128xf32, #tpu.memory_space<hbm>> -> memref<128x128xf32, #tpu.memory_space<hbm>>
    tpu.wait_dma2 semaphore(%arg21 : memref<!tpu.dma_semaphore, #tpu.memory_space<semaphore_mem>>) src(%arg13 : memref<128x128xf32, #tpu.memory_space<vmem>>) dst(%dma_wait3A_124 : memref<128x128xf32, #tpu.memory_space<hbm>>)
    return
  }
}

module attributes {stable_mosaic.version = 14 : i64} {
  func.func @_mlp_body(%arg0: i32, %arg1: memref<4096x128xf32, #tpu.memory_space<vmem>>, %arg2: memref<4096x128xf32, #tpu.memory_space<vmem>>, %arg3: memref<128x64xf32, #tpu.memory_space<vmem>>, %arg4: memref<128x64xf32, #tpu.memory_space<vmem>>, %arg5: memref<1x64xf32, #tpu.memory_space<vmem>>, %arg6: memref<64x16xf32, #tpu.memory_space<vmem>>, %arg7: memref<1x16xf32, #tpu.memory_space<vmem>>, %arg8: memref<1x16xf32, #tpu.memory_space<vmem>>, %arg9: memref<1x1xf32, #tpu.memory_space<vmem>>, %arg10: memref<32x128xf32, #tpu.memory_space<vmem>>) attributes {dimension_semantics = [#tpu.dimension_semantics<parallel>], iteration_bounds = array<i64: 3>, scalar_prefetch = 0 : i64, scratch_operands = 0 : i64, tpu.core_type = #tpu.core_type<tc>, window_params = [{transform_indices = @transform_0, window_bounds = array<i64: 4096, 128>}, {transform_indices = @transform_1, window_bounds = array<i64: 4096, 128>}, {pipeline_mode = #tpu.pipeline_mode<synchronous>, transform_indices = @transform_2, window_bounds = array<i64: 128, 64>}, {pipeline_mode = #tpu.pipeline_mode<synchronous>, transform_indices = @transform_3, window_bounds = array<i64: 128, 64>}, {pipeline_mode = #tpu.pipeline_mode<synchronous>, transform_indices = @transform_4, window_bounds = array<i64: 1, 64>}, {pipeline_mode = #tpu.pipeline_mode<synchronous>, transform_indices = @transform_5, window_bounds = array<i64: 64, 16>}, {pipeline_mode = #tpu.pipeline_mode<synchronous>, transform_indices = @transform_6, window_bounds = array<i64: 1, 16>}, {pipeline_mode = #tpu.pipeline_mode<synchronous>, transform_indices = @transform_7, window_bounds = array<i64: 1, 16>}, {pipeline_mode = #tpu.pipeline_mode<synchronous>, transform_indices = @transform_8, window_bounds = array<i64: 1, 1>}, {transform_indices = @transform_9, window_bounds = array<i64: 32, 128>}]} {
    %get3A = arith.constant 0 : index
    %get3A_0 = arith.constant 0 : index
    %get3A_1 = vector.load %arg1[%get3A, %get3A_0] : memref<4096x128xf32, #tpu.memory_space<vmem>>, vector<4096x128xf32>
    %get3A_2 = arith.constant 0 : index
    %get3A_3 = arith.constant 0 : index
    %get3A_4 = vector.load %arg3[%get3A_2, %get3A_3] : memref<128x64xf32, #tpu.memory_space<vmem>>, vector<128x64xf32>
    %dot_general3A = arith.constant dense<0.000000e+00> : vector<4096x64xf32>
    %dot_general3A_5 = tpu.matmul %get3A_1, %get3A_4, %dot_general3A {dimension_numbers = #tpu.dot_dimension_numbers<[1], [0], [0], [1], [0, 0, 1, 1], [], []>, transpose_lhs_hint = false} : vector<4096x128xf32>, vector<128x64xf32>, vector<4096x64xf32> -> vector<4096x64xf32>
    %get3A_6 = arith.constant 0 : index
    %get3A_7 = arith.constant 0 : index
    %get3A_8 = vector.load %arg2[%get3A_6, %get3A_7] : memref<4096x128xf32, #tpu.memory_space<vmem>>, vector<4096x128xf32>
    %get3A_9 = arith.constant 0 : index
    %get3A_10 = arith.constant 0 : index
    %get3A_11 = vector.load %arg4[%get3A_9, %get3A_10] : memref<128x64xf32, #tpu.memory_space<vmem>>, vector<128x64xf32>
    %dot_general3A_12 = arith.constant dense<0.000000e+00> : vector<4096x64xf32>
    %dot_general3A_13 = tpu.matmul %get3A_8, %get3A_11, %dot_general3A_12 {dimension_numbers = #tpu.dot_dimension_numbers<[1], [0], [0], [1], [0, 0, 1, 1], [], []>, transpose_lhs_hint = false} : vector<4096x128xf32>, vector<128x64xf32>, vector<4096x64xf32> -> vector<4096x64xf32>
    %add3A = arith.addf %dot_general3A_5, %dot_general3A_13 : vector<4096x64xf32>
    %get3A_14 = arith.constant 0 : index
    %get3A_15 = arith.constant 0 : index
    %get3A_16 = vector.load %arg5[%get3A_14, %get3A_15] : memref<1x64xf32, #tpu.memory_space<vmem>>, vector<1x64xf32>
    %add3A_17 = vector.broadcast %get3A_16 : vector<1x64xf32> to vector<4096x64xf32>
    %add3A_18 = arith.addf %add3A, %add3A_17 : vector<4096x64xf32>
    %max3A = arith.constant 0.000000e+00 : f32
    %max3A_19 = vector.broadcast %max3A : f32 to vector<4096x64xf32>
    %max3A_20 = arith.maximumf %add3A_18, %max3A_19 : vector<4096x64xf32>
    %get3A_21 = arith.constant 0 : index
    %get3A_22 = arith.constant 0 : index
    %get3A_23 = vector.load %arg6[%get3A_21, %get3A_22] : memref<64x16xf32, #tpu.memory_space<vmem>>, vector<64x16xf32>
    %dot_general3A_24 = arith.constant dense<0.000000e+00> : vector<4096x16xf32>
    %dot_general3A_25 = tpu.matmul %max3A_20, %get3A_23, %dot_general3A_24 {dimension_numbers = #tpu.dot_dimension_numbers<[1], [0], [0], [1], [0, 0, 1, 1], [], []>, transpose_lhs_hint = false} : vector<4096x64xf32>, vector<64x16xf32>, vector<4096x16xf32> -> vector<4096x16xf32>
    %get3A_26 = arith.constant 0 : index
    %get3A_27 = arith.constant 0 : index
    %get3A_28 = vector.load %arg7[%get3A_26, %get3A_27] : memref<1x16xf32, #tpu.memory_space<vmem>>, vector<1x16xf32>
    %add3A_29 = vector.broadcast %get3A_28 : vector<1x16xf32> to vector<4096x16xf32>
    %add3A_30 = arith.addf %dot_general3A_25, %add3A_29 : vector<4096x16xf32>
    %max3A_31 = arith.constant 0.000000e+00 : f32
    %max3A_32 = vector.broadcast %max3A_31 : f32 to vector<4096x16xf32>
    %max3A_33 = arith.maximumf %add3A_30, %max3A_32 : vector<4096x16xf32>
    %get3A_34 = arith.constant 0 : index
    %get3A_35 = arith.constant 0 : index
    %get3A_36 = vector.load %arg8[%get3A_34, %get3A_35] : memref<1x16xf32, #tpu.memory_space<vmem>>, vector<1x16xf32>
    %mul3A = vector.broadcast %get3A_36 : vector<1x16xf32> to vector<4096x16xf32>
    %mul3A_37 = arith.mulf %max3A_33, %mul3A : vector<4096x16xf32>
    %reduce_sum3A = arith.constant dense<0.000000e+00> : vector<4096xf32>
    %reduce_sum3A_38 = vector.multi_reduction <add>, %mul3A_37, %reduce_sum3A [1] : vector<4096x16xf32> to vector<4096xf32>
    %broadcast_in_dim3A = vector.shape_cast %reduce_sum3A_38 : vector<4096xf32> to vector<4096x1xf32>
    %iota3A = tpu.iota {dimensions = array<i32: 0>} : vector<4096x128xi32>
    %iota3A_39 = tpu.iota {dimensions = array<i32: 1>} : vector<4096x128xi32>
    %jit3A = arith.constant 128 : i32
    %eq3A = arith.constant 0 : i32
    %eq3A_40 = arith.cmpi eq, %jit3A, %eq3A : i32
    %jit3A_41 = arith.constant 1 : i32
    %select_n3A = arith.select %eq3A_40, %jit3A_41, %jit3A : i32
    %rem3A = vector.broadcast %select_n3A : i32 to vector<4096x128xi32>
    %rem3A_42 = arith.remsi %iota3A, %rem3A : vector<4096x128xi32>
    %ne3A = arith.constant 0 : i32
    %ne3A_43 = vector.broadcast %ne3A : i32 to vector<4096x128xi32>
    %ne3A_44 = arith.cmpi ne, %rem3A_42, %ne3A_43 : vector<4096x128xi32>
    %lt3A = arith.constant 0 : i32
    %lt3A_45 = vector.broadcast %lt3A : i32 to vector<4096x128xi32>
    %lt3A_46 = arith.cmpi slt, %rem3A_42, %lt3A_45 : vector<4096x128xi32>
    %lt3A_47 = arith.constant 0 : i32
    %lt3A_48 = arith.cmpi slt, %select_n3A, %lt3A_47 : i32
    %ne3A_49 = vector.broadcast %lt3A_48 : i1 to vector<4096x128xi1>
    %ne3A_50 = vector.broadcast %ne3A_49 : vector<4096x128xi1> to vector<4096x128xi1>
    %ne3A_51 = arith.xori %lt3A_46, %ne3A_50 : vector<4096x128xi1>
    %and3A = arith.andi %ne3A_51, %ne3A_44 : vector<4096x128xi1>
    %add3A_52 = vector.broadcast %select_n3A : i32 to vector<4096x128xi32>
    %add3A_53 = arith.addi %rem3A_42, %add3A_52 : vector<4096x128xi32>
    %select_n3A_54 = arith.select %and3A, %add3A_53, %rem3A_42 : vector<4096x128xi1>, vector<4096x128xi32>
    %eq3A_55 = arith.cmpi eq, %iota3A_39, %select_n3A_54 : vector<4096x128xi32>
    %jit3A_56 = arith.constant 0.000000e+00 : f32
    %broadcast_in_dim3A_57 = vector.shape_cast %broadcast_in_dim3A : vector<4096x1xf32> to vector<4096x1xf32>
    %broadcast_in_dim3A_58 = vector.broadcast %broadcast_in_dim3A_57 : vector<4096x1xf32> to vector<4096x128xf32>
    %broadcast_in_dim3A_59 = vector.broadcast %jit3A_56 : f32 to vector<4096x128xf32>
    %select_n3A_60 = arith.select %eq3A_55, %broadcast_in_dim3A_58, %broadcast_in_dim3A_59 : vector<4096x128xi1>, vector<4096x128xf32>
    %reshape3A = vector.shape_cast %select_n3A_60 : vector<4096x128xf32> to vector<32x128x128xf32>
    %reduce_sum3A_61 = arith.constant dense<0.000000e+00> : vector<32x128xf32>
    %reduce_sum3A_62 = vector.multi_reduction <add>, %reshape3A, %reduce_sum3A_61 [1] : vector<32x128x128xf32> to vector<32x128xf32>
    %get3A_63 = arith.constant 0 : index
    %get3A_64 = arith.constant 0 : index
    %get3A_65 = vector.load %arg9[%get3A_63, %get3A_64] : memref<1x1xf32, #tpu.memory_space<vmem>>, vector<1x1xf32>
    %get3A_66 = vector.extract %get3A_65[0, 0] : f32 from vector<1x1xf32>
    %add3A_67 = vector.broadcast %get3A_66 : f32 to vector<32x128xf32>
    %add3A_68 = arith.addf %reduce_sum3A_62, %add3A_67 : vector<32x128xf32>
    %swap3A = arith.constant 0 : index
    %swap3A_69 = arith.constant 0 : index
    %swap3A_70 = vector.load %arg10[%swap3A, %swap3A_69] : memref<32x128xf32, #tpu.memory_space<vmem>>, vector<32x128xf32>
    tpu.vector_store %arg10[%swap3A, %swap3A_69], %add3A_68 {strides = array<i32>} : memref<32x128xf32, #tpu.memory_space<vmem>>, vector<32x128xf32>,
    return
  }
  func.func @transform_0(%arg0: i32) -> (i32, i32) {
    %c0_i32 = arith.constant 0 : i32
    %c0_i32_0 = arith.constant 0 : i32
    return %arg0, %c0_i32 : i32, i32
  }
  func.func @transform_1(%arg0: i32) -> (i32, i32) {
    %c0_i32 = arith.constant 0 : i32
    %c0_i32_0 = arith.constant 0 : i32
    return %arg0, %c0_i32 : i32, i32
  }
  func.func @transform_2(%arg0: i32) -> (i32, i32) {
    %c0_i32 = arith.constant 0 : i32
    %c0_i32_0 = arith.constant 0 : i32
    %c0_i32_1 = arith.constant 0 : i32
    return %c0_i32, %c0_i32_0 : i32, i32
  }
  func.func @transform_3(%arg0: i32) -> (i32, i32) {
    %c0_i32 = arith.constant 0 : i32
    %c0_i32_0 = arith.constant 0 : i32
    %c0_i32_1 = arith.constant 0 : i32
    return %c0_i32, %c0_i32_0 : i32, i32
  }
  func.func @transform_4(%arg0: i32) -> (i32, i32) {
    %c0_i32 = arith.constant 0 : i32
    %c0_i32_0 = arith.constant 0 : i32
    %c0_i32_1 = arith.constant 0 : i32
    return %c0_i32, %c0_i32_0 : i32, i32
  }
  func.func @transform_5(%arg0: i32) -> (i32, i32) {
    %c0_i32 = arith.constant 0 : i32
    %c0_i32_0 = arith.constant 0 : i32
    %c0_i32_1 = arith.constant 0 : i32
    return %c0_i32, %c0_i32_0 : i32, i32
  }
  func.func @transform_6(%arg0: i32) -> (i32, i32) {
    %c0_i32 = arith.constant 0 : i32
    %c0_i32_0 = arith.constant 0 : i32
    %c0_i32_1 = arith.constant 0 : i32
    return %c0_i32, %c0_i32_0 : i32, i32
  }
  func.func @transform_7(%arg0: i32) -> (i32, i32) {
    %c0_i32 = arith.constant 0 : i32
    %c0_i32_0 = arith.constant 0 : i32
    %c0_i32_1 = arith.constant 0 : i32
    return %c0_i32, %c0_i32_0 : i32, i32
  }
  func.func @transform_8(%arg0: i32) -> (i32, i32) {
    %c0_i32 = arith.constant 0 : i32
    %c0_i32_0 = arith.constant 0 : i32
    %c0_i32_1 = arith.constant 0 : i32
    return %c0_i32, %c0_i32_0 : i32, i32
  }
  func.func @transform_9(%arg0: i32) -> (i32, i32) {
    %add3A = arith.constant 0 : i32
    %add3A_0 = arith.addi %add3A, %arg0 : i32
    %c0_i32 = arith.constant 0 : i32
    %c0_i32_1 = arith.constant 0 : i32
    return %add3A_0, %c0_i32 : i32, i32
  }
}

module attributes {stable_mosaic.version = 14 : i64} {
  func.func @_mlp_body(%arg0: i32, %arg1: memref<4096x128xf32, #tpu.memory_space<vmem>>, %arg2: memref<4096x128xf32, #tpu.memory_space<vmem>>, %arg3: memref<128x64xf32, #tpu.memory_space<vmem>>, %arg4: memref<128x64xf32, #tpu.memory_space<vmem>>, %arg5: memref<1x64xf32, #tpu.memory_space<vmem>>, %arg6: memref<64x16xf32, #tpu.memory_space<vmem>>, %arg7: memref<1x16xf32, #tpu.memory_space<vmem>>, %arg8: memref<1x16xf32, #tpu.memory_space<vmem>>, %arg9: memref<1x1xf32, #tpu.memory_space<vmem>>, %arg10: memref<128x128xf32, #tpu.memory_space<any>>, %arg11: memref<32x128xf32, #tpu.memory_space<vmem>>) attributes {dimension_semantics = [#tpu.dimension_semantics<parallel>], iteration_bounds = array<i64: 1>, scalar_prefetch = 0 : i64, scratch_operands = 0 : i64, tpu.core_type = #tpu.core_type<tc>, window_params = [{transform_indices = @transform_0, window_bounds = array<i64: 4096, 128>}, {transform_indices = @transform_1, window_bounds = array<i64: 4096, 128>}, {pipeline_mode = #tpu.pipeline_mode<synchronous>, transform_indices = @transform_2, window_bounds = array<i64: 128, 64>}, {pipeline_mode = #tpu.pipeline_mode<synchronous>, transform_indices = @transform_3, window_bounds = array<i64: 128, 64>}, {pipeline_mode = #tpu.pipeline_mode<synchronous>, transform_indices = @transform_4, window_bounds = array<i64: 1, 64>}, {pipeline_mode = #tpu.pipeline_mode<synchronous>, transform_indices = @transform_5, window_bounds = array<i64: 64, 16>}, {pipeline_mode = #tpu.pipeline_mode<synchronous>, transform_indices = @transform_6, window_bounds = array<i64: 1, 16>}, {pipeline_mode = #tpu.pipeline_mode<synchronous>, transform_indices = @transform_7, window_bounds = array<i64: 1, 16>}, {pipeline_mode = #tpu.pipeline_mode<synchronous>, transform_indices = @transform_8, window_bounds = array<i64: 1, 1>}, {}, {transform_indices = @transform_10, window_bounds = array<i64: 32, 128>}]} {
    %get3A = arith.constant 0 : index
    %get3A_0 = arith.constant 0 : index
    %get3A_1 = vector.load %arg1[%get3A, %get3A_0] : memref<4096x128xf32, #tpu.memory_space<vmem>>, vector<4096x128xf32>
    %get3A_2 = arith.constant 0 : index
    %get3A_3 = arith.constant 0 : index
    %get3A_4 = vector.load %arg3[%get3A_2, %get3A_3] : memref<128x64xf32, #tpu.memory_space<vmem>>, vector<128x64xf32>
    %dot_general3A = arith.constant dense<0.000000e+00> : vector<4096x64xf32>
    %dot_general3A_5 = tpu.matmul %get3A_1, %get3A_4, %dot_general3A {dimension_numbers = #tpu.dot_dimension_numbers<[1], [0], [0], [1], [0, 0, 1, 1], [], []>, transpose_lhs_hint = false} : vector<4096x128xf32>, vector<128x64xf32>, vector<4096x64xf32> -> vector<4096x64xf32>
    %get3A_6 = arith.constant 0 : index
    %get3A_7 = arith.constant 0 : index
    %get3A_8 = vector.load %arg2[%get3A_6, %get3A_7] : memref<4096x128xf32, #tpu.memory_space<vmem>>, vector<4096x128xf32>
    %get3A_9 = arith.constant 0 : index
    %get3A_10 = arith.constant 0 : index
    %get3A_11 = vector.load %arg4[%get3A_9, %get3A_10] : memref<128x64xf32, #tpu.memory_space<vmem>>, vector<128x64xf32>
    %dot_general3A_12 = arith.constant dense<0.000000e+00> : vector<4096x64xf32>
    %dot_general3A_13 = tpu.matmul %get3A_8, %get3A_11, %dot_general3A_12 {dimension_numbers = #tpu.dot_dimension_numbers<[1], [0], [0], [1], [0, 0, 1, 1], [], []>, transpose_lhs_hint = false} : vector<4096x128xf32>, vector<128x64xf32>, vector<4096x64xf32> -> vector<4096x64xf32>
    %add3A = arith.addf %dot_general3A_5, %dot_general3A_13 : vector<4096x64xf32>
    %get3A_14 = arith.constant 0 : index
    %get3A_15 = arith.constant 0 : index
    %get3A_16 = vector.load %arg5[%get3A_14, %get3A_15] : memref<1x64xf32, #tpu.memory_space<vmem>>, vector<1x64xf32>
    %add3A_17 = vector.broadcast %get3A_16 : vector<1x64xf32> to vector<4096x64xf32>
    %add3A_18 = arith.addf %add3A, %add3A_17 : vector<4096x64xf32>
    %max3A = arith.constant 0.000000e+00 : f32
    %max3A_19 = vector.broadcast %max3A : f32 to vector<4096x64xf32>
    %max3A_20 = arith.maximumf %add3A_18, %max3A_19 : vector<4096x64xf32>
    %get3A_21 = arith.constant 0 : index
    %get3A_22 = arith.constant 0 : index
    %get3A_23 = vector.load %arg6[%get3A_21, %get3A_22] : memref<64x16xf32, #tpu.memory_space<vmem>>, vector<64x16xf32>
    %dot_general3A_24 = arith.constant dense<0.000000e+00> : vector<4096x16xf32>
    %dot_general3A_25 = tpu.matmul %max3A_20, %get3A_23, %dot_general3A_24 {dimension_numbers = #tpu.dot_dimension_numbers<[1], [0], [0], [1], [0, 0, 1, 1], [], []>, transpose_lhs_hint = false} : vector<4096x64xf32>, vector<64x16xf32>, vector<4096x16xf32> -> vector<4096x16xf32>
    %get3A_26 = arith.constant 0 : index
    %get3A_27 = arith.constant 0 : index
    %get3A_28 = vector.load %arg7[%get3A_26, %get3A_27] : memref<1x16xf32, #tpu.memory_space<vmem>>, vector<1x16xf32>
    %add3A_29 = vector.broadcast %get3A_28 : vector<1x16xf32> to vector<4096x16xf32>
    %add3A_30 = arith.addf %dot_general3A_25, %add3A_29 : vector<4096x16xf32>
    %max3A_31 = arith.constant 0.000000e+00 : f32
    %max3A_32 = vector.broadcast %max3A_31 : f32 to vector<4096x16xf32>
    %max3A_33 = arith.maximumf %add3A_30, %max3A_32 : vector<4096x16xf32>
    %get3A_34 = arith.constant 0 : index
    %get3A_35 = arith.constant 0 : index
    %get3A_36 = vector.load %arg8[%get3A_34, %get3A_35] : memref<1x16xf32, #tpu.memory_space<vmem>>, vector<1x16xf32>
    %mul3A = vector.broadcast %get3A_36 : vector<1x16xf32> to vector<4096x16xf32>
    %mul3A_37 = arith.mulf %max3A_33, %mul3A : vector<4096x16xf32>
    %reduce_sum3A = arith.constant dense<0.000000e+00> : vector<4096xf32>
    %reduce_sum3A_38 = vector.multi_reduction <add>, %mul3A_37, %reduce_sum3A [1] : vector<4096x16xf32> to vector<4096xf32>
    %broadcast_in_dim3A = vector.shape_cast %reduce_sum3A_38 : vector<4096xf32> to vector<4096x1xf32>
    %iota3A = tpu.iota {dimensions = array<i32: 0>} : vector<4096x128xi32>
    %iota3A_39 = tpu.iota {dimensions = array<i32: 1>} : vector<4096x128xi32>
    %jit3A = arith.constant 128 : i32
    %eq3A = arith.constant 0 : i32
    %eq3A_40 = arith.cmpi eq, %jit3A, %eq3A : i32
    %jit3A_41 = arith.constant 1 : i32
    %select_n3A = arith.select %eq3A_40, %jit3A_41, %jit3A : i32
    %rem3A = vector.broadcast %select_n3A : i32 to vector<4096x128xi32>
    %rem3A_42 = arith.remsi %iota3A, %rem3A : vector<4096x128xi32>
    %ne3A = arith.constant 0 : i32
    %ne3A_43 = vector.broadcast %ne3A : i32 to vector<4096x128xi32>
    %ne3A_44 = arith.cmpi ne, %rem3A_42, %ne3A_43 : vector<4096x128xi32>
    %lt3A = arith.constant 0 : i32
    %lt3A_45 = vector.broadcast %lt3A : i32 to vector<4096x128xi32>
    %lt3A_46 = arith.cmpi slt, %rem3A_42, %lt3A_45 : vector<4096x128xi32>
    %lt3A_47 = arith.constant 0 : i32
    %lt3A_48 = arith.cmpi slt, %select_n3A, %lt3A_47 : i32
    %ne3A_49 = vector.broadcast %lt3A_48 : i1 to vector<4096x128xi1>
    %ne3A_50 = vector.broadcast %ne3A_49 : vector<4096x128xi1> to vector<4096x128xi1>
    %ne3A_51 = arith.xori %lt3A_46, %ne3A_50 : vector<4096x128xi1>
    %and3A = arith.andi %ne3A_51, %ne3A_44 : vector<4096x128xi1>
    %add3A_52 = vector.broadcast %select_n3A : i32 to vector<4096x128xi32>
    %add3A_53 = arith.addi %rem3A_42, %add3A_52 : vector<4096x128xi32>
    %select_n3A_54 = arith.select %and3A, %add3A_53, %rem3A_42 : vector<4096x128xi1>, vector<4096x128xi32>
    %eq3A_55 = arith.cmpi eq, %iota3A_39, %select_n3A_54 : vector<4096x128xi32>
    %jit3A_56 = arith.constant 0.000000e+00 : f32
    %broadcast_in_dim3A_57 = vector.shape_cast %broadcast_in_dim3A : vector<4096x1xf32> to vector<4096x1xf32>
    %broadcast_in_dim3A_58 = vector.broadcast %broadcast_in_dim3A_57 : vector<4096x1xf32> to vector<4096x128xf32>
    %broadcast_in_dim3A_59 = vector.broadcast %jit3A_56 : f32 to vector<4096x128xf32>
    %select_n3A_60 = arith.select %eq3A_55, %broadcast_in_dim3A_58, %broadcast_in_dim3A_59 : vector<4096x128xi1>, vector<4096x128xf32>
    %reshape3A = vector.shape_cast %select_n3A_60 : vector<4096x128xf32> to vector<32x128x128xf32>
    %reduce_sum3A_61 = arith.constant dense<0.000000e+00> : vector<32x128xf32>
    %reduce_sum3A_62 = vector.multi_reduction <add>, %reshape3A, %reduce_sum3A_61 [1] : vector<32x128x128xf32> to vector<32x128xf32>
    %get3A_63 = arith.constant 0 : index
    %get3A_64 = arith.constant 0 : index
    %get3A_65 = vector.load %arg9[%get3A_63, %get3A_64] : memref<1x1xf32, #tpu.memory_space<vmem>>, vector<1x1xf32>
    %get3A_66 = vector.extract %get3A_65[0, 0] : f32 from vector<1x1xf32>
    %add3A_67 = vector.broadcast %get3A_66 : f32 to vector<32x128xf32>
    %add3A_68 = arith.addf %reduce_sum3A_62, %add3A_67 : vector<32x128xf32>
    %swap3A = arith.constant 0 : index
    %swap3A_69 = arith.constant 0 : index
    %swap3A_70 = vector.load %arg11[%swap3A, %swap3A_69] : memref<32x128xf32, #tpu.memory_space<vmem>>, vector<32x128xf32>
    tpu.vector_store %arg11[%swap3A, %swap3A_69], %add3A_68 {strides = array<i32>} : memref<32x128xf32, #tpu.memory_space<vmem>>, vector<32x128xf32>,
    return
  }
  func.func @transform_0(%arg0: i32) -> (i32, i32) {
    %c0_i32 = arith.constant 0 : i32
    %c0_i32_0 = arith.constant 0 : i32
    return %arg0, %c0_i32 : i32, i32
  }
  func.func @transform_1(%arg0: i32) -> (i32, i32) {
    %c0_i32 = arith.constant 0 : i32
    %c0_i32_0 = arith.constant 0 : i32
    return %arg0, %c0_i32 : i32, i32
  }
  func.func @transform_2(%arg0: i32) -> (i32, i32) {
    %c0_i32 = arith.constant 0 : i32
    %c0_i32_0 = arith.constant 0 : i32
    %c0_i32_1 = arith.constant 0 : i32
    return %c0_i32, %c0_i32_0 : i32, i32
  }
  func.func @transform_3(%arg0: i32) -> (i32, i32) {
    %c0_i32 = arith.constant 0 : i32
    %c0_i32_0 = arith.constant 0 : i32
    %c0_i32_1 = arith.constant 0 : i32
    return %c0_i32, %c0_i32_0 : i32, i32
  }
  func.func @transform_4(%arg0: i32) -> (i32, i32) {
    %c0_i32 = arith.constant 0 : i32
    %c0_i32_0 = arith.constant 0 : i32
    %c0_i32_1 = arith.constant 0 : i32
    return %c0_i32, %c0_i32_0 : i32, i32
  }
  func.func @transform_5(%arg0: i32) -> (i32, i32) {
    %c0_i32 = arith.constant 0 : i32
    %c0_i32_0 = arith.constant 0 : i32
    %c0_i32_1 = arith.constant 0 : i32
    return %c0_i32, %c0_i32_0 : i32, i32
  }
  func.func @transform_6(%arg0: i32) -> (i32, i32) {
    %c0_i32 = arith.constant 0 : i32
    %c0_i32_0 = arith.constant 0 : i32
    %c0_i32_1 = arith.constant 0 : i32
    return %c0_i32, %c0_i32_0 : i32, i32
  }
  func.func @transform_7(%arg0: i32) -> (i32, i32) {
    %c0_i32 = arith.constant 0 : i32
    %c0_i32_0 = arith.constant 0 : i32
    %c0_i32_1 = arith.constant 0 : i32
    return %c0_i32, %c0_i32_0 : i32, i32
  }
  func.func @transform_8(%arg0: i32) -> (i32, i32) {
    %c0_i32 = arith.constant 0 : i32
    %c0_i32_0 = arith.constant 0 : i32
    %c0_i32_1 = arith.constant 0 : i32
    return %c0_i32, %c0_i32_0 : i32, i32
  }
  func.func @transform_10(%arg0: i32) -> (i32, i32) {
    %add3A = arith.constant 3 : i32
    %add3A_0 = arith.addi %add3A, %arg0 : i32
    %c0_i32 = arith.constant 0 : i32
    %c0_i32_1 = arith.constant 0 : i32
    return %add3A_0, %c0_i32 : i32, i32
  }
}

</mosaic_0001>

<sc_bundles>
// kernel: sc_embedding_gather.4.cloned.1.call-start
scs
__scs_entry_jumppad:
0x0: {  	(pc) =	sbr.rel $0x88, $3  }
0x1: {  	(tag) =	ssettag $0x0;
	lr =	simm.s32 $0x1  }
0x2: {  	[smem:$0x3F97] =	sst lr;
	_ =	strace $0xD0000000  }
0x3: {  	_ = 	snop  }
0x4: {  	_ = 	snop  }
0x5: {  	_ = 	snop  }
0x6: {  	_ = 	snop  }
0x7: {  	_ = 	snop  }
__scs_overlays_trampoline_lowered:
0x8: {  	[smem:$0x3FA6] =	sst s0  }
0x9: {  	[smem:$0x3FA7] =	sst s1  }
0xa: {  	[smem:$0x3FA8] =	sst s2  }
0xb: {  	[smem:$0x3FA9] =	sst s3  }
0xc: {  	[smem:$0x3FAA] =	sst s4  }
0xd: {  	[smem:$0x3FAB] =	sst s5  }
0xe: {  	[smem:$0x3FAC] =	sst s6  }
0xf: {  	[smem:$0x3FAD] =	sst s7  }
0x10: {  	[smem:$0x3FAE] =	sst s8  }
0x11: {  	[smem:$0x3FAF] =	sst s9;
	s0 =	simm.s32 @!p0 $0x0  }
0x12: {  	s1 =	sld [smem:$0x3F95];
	s0 =	simm.s32 @p0 $0x1  }
0x13: {  	[smem:$0x3FB0] =	sst s0;
	s0 =	simm.s32 @!p1 $0x0  }
0x14: {  	s2 =	sld [smem:$0x3F94];
	s0 =	simm.s32 @p1 $0x1  }
0x15: {  	[smem:$0x3FB1] =	sst s0;
	s0 =	simm.s32 @!p2 $0x0  }
0x16: {  	s3 =	sld [smem:$0x3FDB];
	s0 =	simm.s32 @p2 $0x1  }
0x17: {  	s4 =	simm.s32 $0x1BF5;
	[smem:$0x3FB3] =	sst s0  }
0x18: {  	s0 =	sld [smem:$0x3F96];
	_ =	swait.ge [sflag:s4], $0x0  }
0x19: {  	s7 =	sld [smem:$0x3F97]  }
0x1a: {  	s8 =	sadd.s32 $0xFFFFE003, lr  }
0x1b: {  	s9 =	sadd.s32 $0xFFFFFEF7, lr;
	s5 =	simm.s32 $0xFFFFFFFF;
	p2 =	slt.u32 s8, $0xFFFFF086  }
0x1c: {  	p1 =	slt.u32 s9, $0xF7A;
	s5 =	simm.s32 @!p2 $0x0  }
0x1d: {  	s5 =	simm.s32 @p1 $0x1;
	p0 =	seq.s32 s7, s2  }
0x1e: {  	s7 =	smul.u32 @!p0 $0xF7A, s2;
	p2 =	seq.s32 @!p0 s5, $0x0  }
0x1f: {  	s9 =	smul.u32 $0xF7A, s1;
	s8 =	simm.s32 @!p0 $0x1BF5;
	p2 =	por !p2, p0  }
0x20: {  	[sflag:s8] =	ssyncset.s32 @!p0 $0xFFFFF086;
	s6 =	sadd.s32 @!p0 s3, s7;
	s7 =	simm.s32 @!p0 $0x108  }
0x21: {  	s3 =	sadd.s32 s3, s9;
	s6 =	sadd.s32 @!p0 $0x88, s6;
	s7 =	simm.s32 @p2 $0x1082  }
0x22: {  	[simem:s7], [sflag:s8] =	dma.local @!p0 [hbm:s6], $0xF7A  }
0x23: {  	s9 =	sor.u32 $0xD0000000, s2;
	s6 =	simm.s32 $0x108;
	_ =	swait.ge @!p0 [sflag:s8], $0x0  }
0x24: {  	s3 =	sadd.s32 $0x88, s3;
	s6 =	simm.s32 @!p1 $0x1082;
	[sflag:s4] =	ssyncset.s32 $0xFFFFF086  }
0x25: {  	[simem:s6], [sflag:s4] =	dma.local [hbm:s3], $0xF7A  }
0x26: {  	[smem:$0x3F97] =	sst s1;
	(tag) =	ssettag s2;
	_ =	strace s9  }
0x27: {  	s1 =	sld [smem:$0x3FA7]  }
0x28: {  	s2 =	sld [smem:$0x3FA8]  }
0x29: {  	s4 =	sld [smem:$0x3FAA]  }
0x2a: {  	p0 =	seq.s32 s5, $0x0;
	s5 =	sld [smem:$0x3FAB]  }
0x2b: {  	s6 =	sld [smem:$0x3FAC]  }
0x2c: {  	s7 =	sld [smem:$0x3FAD]  }
0x2d: {  	s3 =	simm.s32 $0x108;
	s8 =	sld [smem:$0x3FAE]  }
0x2e: {  	s3 =	simm.s32 @!p0 $0x1082;
	s9 =	sld [smem:$0x3FAF]  }
0x2f: {  	lr =	sadd.s32 s0, s3;
	s0 =	sld [smem:$0x3FA6]  }
0x30: {  	s3 =	sld [smem:$0x3FA9]  }
0x31: {  	[smem:$0x3FB2] =	sst s10  }
0x32: {  	s10 =	sld [smem:$0x3FB0];
	_ =	sdelay $0x3  }
0x33: {  	p0 =	seq.s32 s10, $0x1;
	s10 =	sld [smem:$0x3FB2];
	_ =	sdelay $0x3  }
0x34: {  	[smem:$0x3FB2] =	sst s10  }
0x35: {  	s10 =	sld [smem:$0x3FB1];
	_ =	sdelay $0x3  }
0x36: {  	p1 =	seq.s32 s10, $0x1;
	s10 =	sld [smem:$0x3FB2];
	_ =	sdelay $0x3  }
0x37: {  	[smem:$0x3FB2] =	sst s10  }
0x38: {  	s10 =	sld [smem:$0x3FB3]  }
0x39: {  	_ = 	snop;
	(pc) =	sbr.ind lr, $3  }
0x3a: {  	_ = 	snop  }
0x3b: {  	_ = 	snop  }
0x3c: {  	p2 =	seq.s32 s10, $0x1;
	s10 =	sld [smem:$0x3FB2]  }
0x3d: {  	_ =	shalt  }
0x3e: {  	_ =	shalt  }
0x3f: {  	_ =	shalt  }
0x40: {  	_ =	shalt  }
0x41: {  	_ =	shalt  }
0x42: {  	_ =	shalt  }
0x43: {  	_ =	shalt  }
0x44: {  	_ =	shalt  }
0x45: {  	_ =	shalt  }
0x46: {  	_ =	shalt  }
0x47: {  	_ =	shalt  }
0x48: {  	_ =	shalt  }
0x49: {  	_ =	shalt  }
0x4a: {  	_ =	shalt  }
0x4b: {  	_ =	shalt  }
0x4c: {  	_ =	shalt  }
0x4d: {  	_ =	shalt  }
0x4e: {  	_ =	shalt  }
0x4f: {  	_ =	shalt  }
0x50: {  	_ =	shalt  }
0x51: {  	_ =	shalt  }
0x52: {  	_ =	shalt  }
0x53: {  	_ =	shalt  }
0x54: {  	_ =	shalt  }
0x55: {  	_ =	shalt  }
0x56: {  	_ =	shalt  }
0x57: {  	_ =	shalt  }
0x58: {  	_ =	shalt  }
0x59: {  	_ =	shalt  }
0x5a: {  	_ =	shalt  }
0x5b: {  	_ =	shalt  }
0x5c: {  	_ =	shalt  }
0x5d: {  	_ =	shalt  }
0x5e: {  	_ =	shalt  }
0x5f: {  	_ =	shalt  }
0x60: {  	_ =	shalt  }
0x61: {  	_ =	shalt  }
0x62: {  	_ =	shalt  }
0x63: {  	_ =	shalt  }
0x64: {  	_ =	shalt  }
0x65: {  	_ =	shalt  }
0x66: {  	_ =	shalt  }
0x67: {  	_ =	shalt  }
0x68: {  	_ =	shalt  }
0x69: {  	_ =	shalt  }
0x6a: {  	_ =	shalt  }
0x6b: {  	_ =	shalt  }
0x6c: {  	_ =	shalt  }
0x6d: {  	_ =	shalt  }
0x6e: {  	_ =	shalt  }
0x6f: {  	_ =	shalt  }
0x70: {  	_ =	shalt  }
0x71: {  	_ =	shalt  }
0x72: {  	_ =	shalt  }
0x73: {  	_ =	shalt  }
0x74: {  	_ =	shalt  }
0x75: {  	_ =	shalt  }
0x76: {  	_ =	shalt  }
0x77: {  	_ =	shalt  }
0x78: {  	_ =	shalt  }
0x79: {  	_ =	shalt  }
0x7a: {  	_ =	shalt  }
0x7b: {  	_ =	shalt  }
0x7c: {  	_ =	shalt  }
0x7d: {  	_ =	shalt  }
0x7e: {  	_ =	shalt  }
0x7f: {  	_ =	shalt  }
0x80: {  	_ =	shalt  }
0x81: {  	_ =	shalt  }
0x82: {  	_ =	shalt  }
0x83: {  	_ =	shalt  }
0x84: {  	_ =	shalt  }
0x85: {  	_ =	shalt  }
0x86: {  	_ =	shalt  }
0x87: {  	_ =	shalt  }
.Lfunc_end0:
.L_simem_size_0:
called_computation_lowered:
.L_overlay_start_0:
0x88: {  	s2 =	sld [smem:$0x3FD9]  }
0x89: {  	s3 =	sld [smem:$0x3FFE];
	_ =	sdelay $0x1  }
0x8a: {  	s1 =	srdreg.scid  }
0x8b: {  	s0 =	sand.u32 $0x1, s1  }
0x8c: {  	s17 =	sshll.u32 s0, $0xA;
	s2 =	sadd.s32 s3, s2  }
0x8d: {  	s2 =	sadd.s32 s2, s17  }
0x8e: {  	[smem:$0x3FBE] =	sst s2  }
0x8f: {  	_ = 	snop  }
0x90: {  	s2 =	sld [smem:$0x3FC9]  }
0x91: {  	s18 =	sld [smem:$0x3FC8]  }
0x92: {  	s4 =	sld [smem:$0x3FC7]  }
0x93: {  	s5 =	sld [smem:$0x3FC6];
	(tm) =	ssettm $0x1  }
0x94: {  	s6 =	sld [smem:$0x3FFB];
	_ =	sdelay $0x3  }
0x95: {  	_ =	strace s6  }
0x96: {  	s6 =	sld [smem:$0x3FFC];
	_ =	sdelay $0x3  }
0x97: {  	_ =	strace s6  }
0x98: {  	s6 =	sld [smem:$0x3FFD];
	_ =	sdelay $0x3  }
0x99: {  	_ =	strace s6  }
0x9a: {  	_ =	strace $0x8FFFFFFF  }
0x9b: {  	s19 =	sld [smem:$0x3FDB];
	_ =	sdelay $0x1  }
0x9c: {  	s7 =	simm.s32 $_scs_section_size  }
0x9d: {  	s8 =	simm.s32 $_size__tile_overlayer_lowered;
	s9 =	simm.s32 $_tile_overlayer_lowered  }
0x9e: {  	s22 =	simm.s32 $0x1BFF;
	s21 =	sshll.u32 s9, $0x1;
	s6 =	sadd.s32 s7, s19  }
0x9f: {  	s10 =	simm.s32 $0x0;
	s20 =	sshll.u32 s8, $0x1;
	s8 =	sadd.s32 s21, s6  }
0xa0: {  	[timem:s10], [sflag:s22] =	dma.local [hbm:s8], s20  }
0xa1: {  	_ =	swait.ge [sflag:s22], s20  }
0xa2: {  	s7 =	ssub.s32 $0x0, s20;
	[sflag:s22] =	ssyncset.done $0x0  }
0xa3: {  	[sflag:s22] =	ssyncadd.s32 s7;
	_ =	sdelay $0x1  }
0xa4: {  	s23 =	simm.s32 $0x1B8B  }
0xa5: {  	_ =	swait.ge [sflag:s23], $0x1  }
0xa6: {  	[sflag:s23] =	ssyncset.done $0x0  }
0xa7: {  	s25 =	simm.s32 $0x1B8E;
	s24 =	sld [smem:$0x3FFE];
	[sflag:s23] =	ssyncadd.s32 $0xFFFFFFFF  }
0xa8: {  	s26 =	simm.s32 $execute0_lowered;
	[smem:$0x3FD2] =	sst s25  }
0xa9: {  	s8 =	sshll.u32 s26, $0x1;
	_ =	strace $0x80000046;
	[dreg:$0x1] =	wrdreg $0xFFFFFFFF  }
0xaa: {  	s28 =	simm.s32 $_size_execute0_lowered;
	s6 =	sadd.s32 s6, s8;
	[dreg:$0x0] =	wrdreg $0x0  }
0xab: {  	s8 =	sshll.u32 s28, $0x1;
	[dreg:$0x2] =	wrdreg s6  }
0xac: {  	[dreg:$0x3] =	wrdreg s8  }
0xad: {  	[dreg:$0x4] =	wrdreg $0xC0  }
0xae: {  	_ =	task [dreg:s10], $0x5FFFF  }
0xaf: {  	[dreg:$0x1] =	wrdreg $0xFFFFFFFF  }
0xb0: {  	[dreg:$0x0] =	wrdreg $0x60  }
0xb1: {  	[dreg:$0x2] =	wrdreg s2  }
0xb2: {  	[dreg:$0x3] =	wrdreg s18  }
0xb3: {  	[dreg:$0x4] =	wrdreg s4  }
0xb4: {  	[dreg:$0x5] =	wrdreg s5  }
0xb5: {  	[dreg:$0x6] =	wrdreg s24  }
0xb6: {  	[dreg:$0x7] =	wrdreg $0x9  }
0xb7: {  	_ =	task.clear_ibuf [dreg:s10], $0x8FFFF;
	_ =	strace $0x90000046  }
0xb8: {  	s29 =	simm.s32 $0x9;
	_ =	strace $0x80000048  }
0xb9: {  	_ =	swait.ge [sflag:s29], $0x1  }
0xba: {  	[sflag:s29] =	ssyncadd.s32 $0xFFFFFFFF  }
0xbb: {  	_ =	strace $0x90000048  }
0xbc: {  	_ =	sfence  }
0xbd: {  	s30 =	sld [smem:$0x0];
	_ =	sdelay $0x2  }
0xbe: {  	s31 =	sshll.u32 s1, $0xD;
	s1 =	sshrl.u32 s1, $0x2  }
0xbf: {  	s3 =	sand.u32 $0x4000, s31;
	s1 =	sadd.s32 s1, s30  }
0xc0: {  	s0 =	sor.u32 s3, s0;
	s1 =	sshll.u32 s1, $0x11  }
0xc1: {  	s0 =	sor.u32 s1, s0  }
0xc2: {  	s0 =	sadd.s32 $0x8F2B, s0  }
0xc3: {  	[sflag:s0] =	ssyncadd.remote.s32 $0x1  }
0xc4: {  	_ =	sfence.sel $0xFFFF  }
0xc5: {  	[dreg:$0x0] =	wrdreg $0xFFFFFFFF;
	(pc) =	sbr.abs _section_cstart, $3  }
0xc6: {  	[dreg:$0x1] =	wrdreg $0xFFFFFFFF  }
0xc7: {  	_ =	task.clear_ibuf [dreg:s10], $0x2FFFF;
	_ =	strace $0x9FFFFFFF  }
0xc8: {  	(tm) =	ssettm $0x7FFFFFFF  }
0xc9: {  	_ =	shalt  }
tec
execute0_lowered:
.L_overlay_start_1:
0x0: {  	(tag) =	ssettag $0x1  }
0x1: {  	s5 =	rddreg [dreg:$0x0]  }
0x2: {  	s1 =	srdreg.scid;
	s0 =	stileid.u32  }
0x3: {  	s6 =	rddreg [dreg:$0x1];
	s29 =	sand.u32 $0x1, s1;
	s26 =	sshll.u32 s0, $0x1  }
0x4: {  	s2 =	rddreg [dreg:$0x2];
	s15 =	sor.u32 s29, s26  }
0x5: {  	s3 =	rddreg [dreg:$0x3];
	s7 =	smul.u32 $0x30, s15  }
0x6: {  	s25 =	rddreg [dreg:$0x4];
	s4 =	simm.s32 $0x0  }
0x7: {  	[smem:$0x7FF] =	sst s4;
	s5 =	sadd.s32 s5, s7  }
0x8: {  	_ =	strace $0x80000047;
	[dreg:$0x6] =	wrdreg s5  }
0x9: {  	s5 =	simm.s32 $0x9;
	s8 =	rddreg [dreg:$0x6]  }
0xa: {  	[tilespmem:s4], [sflag:$0x9] =	stream.linear.gather [hbm4b:s8+s4], $0x180, $0x38;
	[tilespmem:$0x10300] =	vst v63  }
0xb: {  	_ =	swait.ge [sflag:s5], $0x180  }
0xc: {  	[sflag:s5] =	ssyncset.done $0x0  }
0xd: {  	s6 =	sadd.s32 s6, s7;
	s7 =	simm.s32 $0x180;
	[sflag:s5] =	ssyncadd.s32 $0xFFFFFE80  }
0xe: {  	[tilespmem:s7], [sflag:$0x9] =	stream.linear.gather [hbm4b:s6+s4], $0x180, $0x38;
	[tilespmem:$0x10300] =	vst v63  }
0xf: {  	_ =	swait.ge [sflag:s5], $0x180  }
0x10: {  	[sflag:s5] =	ssyncset.done $0x0  }
0x11: {  	s9 =	simm.s32 $0x300;
	s8 =	simm.s32 $0x80;
	[sflag:s5] =	ssyncadd.s32 $0xFFFFFE80  }
0x12: {  	[tilespmem:s9], [sflag:$0x1] =	stream.indirect.gather [hbm4b:s2+s8], $0x80, s4, s8, $0xb8;
	[tilespmem:$0x10300] =	vst v63  }
0x13: {  	s10 =	simm.s32 $0x4300  }
0x14: {  	[tilespmem:s10], [sflag:$0x2] =	stream.indirect.gather [hbm4b:s2+s8], $0x80, s8, s8, $0xb8;
	[tilespmem:$0x10300] =	vst v63  }
0x15: {  	s11 =	simm.s32 $0x100;
	s12 =	simm.s32 $0x8300;
	s13 =	simm.s32 $0x1  }
0x16: {  	[tilespmem:s12], [sflag:$0x3] =	stream.indirect.gather [hbm4b:s2+s8], $0x80, s11, s8, $0xb8;
	[tilespmem:$0x10300] =	vst v63  }
0x17: {  	s26 =	smul.u32 $0x1800, s15;
	_ =	swait.ge [sflag:s13], $0x4000  }
0x18: {  	s21 =	sadd.s32 $0x2400, s25;
	[sflag:s13] =	ssyncset.done $0x0  }
0x19: {  	s14 =	sadd.s32 s21, s26;
	[sflag:s13] =	ssyncadd.s32 $0xFFFFC000  }
0x1a: {  	[hbm4b:s14+s4] =	stream.linear.scatter [tilespmem:s9], [sflag:$0x5], $0x4000, $0x38;
	[tilespmem:$0x10300] =	vst v63  }
0x1b: {  	s16 =	simm.s32 $0x2;
	s17 =	smul.u32 $0xC000, s15;
	s15 =	simm.s32 $0xC300  }
0x1c: {  	[tilespmem:s15], [sflag:$0x4] =	stream.indirect.gather [hbm4b:s3+s8], $0x80, s7, s8, $0xb8;
	[tilespmem:$0x10300] =	vst v63  }
0x1d: {  	s22 =	sshrl.u32 s17, $0x3;
	_ =	swait.ge [sflag:s16], $0x4000  }
0x1e: {  	s28 =	sadd.s32 $0x800, s22;
	[sflag:s16] =	ssyncset.done $0x0  }
0x1f: {  	s18 =	simm.s32 $0x5;
	s17 =	sadd.s32 s21, s28;
	[sflag:s16] =	ssyncadd.s32 $0xFFFFC000  }
0x20: {  	[hbm4b:s17+s4] =	stream.linear.scatter [tilespmem:s10], [sflag:$0x6], $0x4000, $0x38;
	[tilespmem:$0x10300] =	vst v63  }
0x21: {  	_ =	swait.ge [sflag:s18], $0x4000  }
0x22: {  	[sflag:s18] =	ssyncset.done $0x0  }
0x23: {  	s19 =	simm.s32 $0x200;
	s20 =	simm.s32 $0x3;
	[sflag:s18] =	ssyncadd.s32 $0xFFFFC000  }
0x24: {  	[tilespmem:s9], [sflag:$0x1] =	stream.indirect.gather [hbm4b:s3+s8], $0x80, s19, s8, $0xb8;
	[tilespmem:$0x10300] =	vst v63  }
0x25: {  	_ =	swait.ge [sflag:s20], $0x4000  }
0x26: {  	s30 =	sadd.s32 $0x1000, s22;
	[sflag:s20] =	ssyncset.done $0x0  }
0x27: {  	s22 =	simm.s32 $0x6;
	s21 =	sadd.s32 s21, s30;
	[sflag:s20] =	ssyncadd.s32 $0xFFFFC000  }
0x28: {  	[hbm4b:s21+s4] =	stream.linear.scatter [tilespmem:s12], [sflag:$0x7], $0x4000, $0x38;
	[tilespmem:$0x10300] =	vst v63  }
0x29: {  	_ =	swait.ge [sflag:s22], $0x4000  }
0x2a: {  	[sflag:s22] =	ssyncset.done $0x0  }
0x2b: {  	s23 =	simm.s32 $0x280;
	s24 =	simm.s32 $0x4;
	[sflag:s22] =	ssyncadd.s32 $0xFFFFC000  }
0x2c: {  	[tilespmem:s10], [sflag:$0x2] =	stream.indirect.gather [hbm4b:s3+s8], $0x80, s23, s8, $0xb8;
	[tilespmem:$0x10300] =	vst v63  }
0x2d: {  	_ =	swait.ge [sflag:s24], $0x4000  }
0x2e: {  	s31 =	sadd.s32 $0x32400, s25;
	[sflag:s24] =	ssyncset.done $0x0  }
0x2f: {  	s25 =	sadd.s32 s31, s26;
	[sflag:s24] =	ssyncadd.s32 $0xFFFFC000  }
0x30: {  	[hbm4b:s25+s4] =	stream.linear.scatter [tilespmem:s15], [sflag:$0x8], $0x4000, $0x38;
	[tilespmem:$0x10300] =	vst v63  }
0x31: {  	_ =	swait.ge [sflag:s13], $0x4000  }
0x32: {  	[sflag:s13] =	ssyncset.done $0x0  }
0x33: {  	s26 =	sadd.s32 s31, s28;
	[sflag:s13] =	ssyncadd.s32 $0xFFFFC000  }
0x34: {  	[hbm4b:s26+s4] =	stream.linear.scatter [tilespmem:s9], [sflag:$0x5], $0x4000, $0x38;
	[tilespmem:$0x10300] =	vst v63  }
0x35: {  	_ =	swait.ge [sflag:s16], $0x4000  }
0x36: {  	[sflag:s16] =	ssyncset.done $0x0  }
0x37: {  	s28 =	sadd.s32 s31, s30;
	[sflag:s16] =	ssyncadd.s32 $0xFFFFC000  }
0x38: {  	[hbm4b:s28+s4] =	stream.linear.scatter [tilespmem:s10], [sflag:$0x6], $0x4000, $0x38;
	[tilespmem:$0x10300] =	vst v63  }
0x39: {  	s30 =	ssub.s32 $0x2, s29;
	_ =	swait.ge [sflag:s18], $0x4000  }
0x3a: {  	s31 =	sshrl.u32 s30, $0x1;
	[sflag:s18] =	ssyncset.done $0x0  }
0x3b: {  	s30 =	ssub.s32 s30, s31;
	[sflag:s18] =	ssyncadd.s32 $0xFFFFC000  }
0x3c: {  	s31 =	smax.u32 s30, $0x1;
	_ =	swait.ge [sflag:s22], $0x4000  }
0x3d: {  	p0 =	sne.s32 s31, $0x1;
	[sflag:s22] =	ssyncset.done $0x0  }
.Ltmp0:
0x3e: {  	s29 =	simm.s32 $0x7;
	[sflag:s22] =	ssyncadd.s32 $0xFFFFC000;
	(pc) =	sbr.rel @!p0 .LBB2_2-.Ltmp0, $4  }
0x3f: {  	_ =	swait.ge [sflag:s29], $0x4000  }
0x40: {  	[sflag:s29] =	ssyncset.done $0x0  }
0x41: {  	s30 =	simm.s32 $0x8;
	[sflag:s29] =	ssyncadd.s32 $0xFFFFC000  }
0x42: {  	s31 =	sadd.s32 $0xFFFFFFFF, s31;
	_ =	swait.ge [sflag:s30], $0x4000  }
.LBB2_1:
0x43: {  	[sflag:s30] =	ssyncset.done $0x0  }
0x44: {  	s1 =	rddreg [dreg:$0x6];
	[sflag:s30] =	ssyncadd.s32 $0xFFFFC000  }
0x45: {  	[tilespmem:s4], [sflag:$0x9] =	stream.linear.gather [hbm4b:s1+s4], $0x180, $0x38;
	[tilespmem:$0x10300] =	vst v63  }
0x46: {  	_ =	swait.ge [sflag:s5], $0x180  }
0x47: {  	[sflag:s5] =	ssyncset.done $0x0  }
0x48: {  	[sflag:s5] =	ssyncadd.s32 $0xFFFFFE80  }
0x49: {  	[tilespmem:s7], [sflag:$0x9] =	stream.linear.gather [hbm4b:s6+s4], $0x180, $0x38;
	[tilespmem:$0x10300] =	vst v63  }
0x4a: {  	_ =	swait.ge [sflag:s5], $0x180  }
0x4b: {  	[sflag:s5] =	ssyncset.done $0x0  }
0x4c: {  	[sflag:s5] =	ssyncadd.s32 $0xFFFFFE80  }
0x4d: {  	[tilespmem:s9], [sflag:$0x1] =	stream.indirect.gather [hbm4b:s2+s8], $0x80, s4, s8, $0xb8;
	[tilespmem:$0x10300] =	vst v63  }
0x4e: {  	_ = 	snop  }
0x4f: {  	[tilespmem:s10], [sflag:$0x2] =	stream.indirect.gather [hbm4b:s2+s8], $0x80, s8, s8, $0xb8;
	[tilespmem:$0x10300] =	vst v63  }
0x50: {  	_ = 	snop  }
0x51: {  	[tilespmem:s12], [sflag:$0x3] =	stream.indirect.gather [hbm4b:s2+s8], $0x80, s11, s8, $0xb8;
	[tilespmem:$0x10300] =	vst v63  }
0x52: {  	_ =	swait.ge [sflag:s13], $0x4000  }
0x53: {  	[sflag:s13] =	ssyncset.done $0x0  }
0x54: {  	[sflag:s13] =	ssyncadd.s32 $0xFFFFC000  }
0x55: {  	[hbm4b:s14+s4] =	stream.linear.scatter [tilespmem:s9], [sflag:$0x5], $0x4000, $0x38;
	[tilespmem:$0x10300] =	vst v63  }
0x56: {  	_ = 	snop  }
0x57: {  	[tilespmem:s15], [sflag:$0x4] =	stream.indirect.gather [hbm4b:s3+s8], $0x80, s7, s8, $0xb8;
	[tilespmem:$0x10300] =	vst v63  }
0x58: {  	_ =	swait.ge [sflag:s16], $0x4000  }
0x59: {  	[sflag:s16] =	ssyncset.done $0x0  }
0x5a: {  	[sflag:s16] =	ssyncadd.s32 $0xFFFFC000  }
0x5b: {  	[hbm4b:s17+s4] =	stream.linear.scatter [tilespmem:s10], [sflag:$0x6], $0x4000, $0x38;
	[tilespmem:$0x10300] =	vst v63  }
0x5c: {  	_ =	swait.ge [sflag:s18], $0x4000  }
0x5d: {  	[sflag:s18] =	ssyncset.done $0x0  }
0x5e: {  	[sflag:s18] =	ssyncadd.s32 $0xFFFFC000  }
0x5f: {  	[tilespmem:s9], [sflag:$0x1] =	stream.indirect.gather [hbm4b:s3+s8], $0x80, s19, s8, $0xb8;
	[tilespmem:$0x10300] =	vst v63  }
0x60: {  	_ =	swait.ge [sflag:s20], $0x4000  }
0x61: {  	[sflag:s20] =	ssyncset.done $0x0  }
0x62: {  	[sflag:s20] =	ssyncadd.s32 $0xFFFFC000  }
0x63: {  	[hbm4b:s21+s4] =	stream.linear.scatter [tilespmem:s12], [sflag:$0x7], $0x4000, $0x38;
	[tilespmem:$0x10300] =	vst v63  }
0x64: {  	_ =	swait.ge [sflag:s22], $0x4000  }
0x65: {  	[sflag:s22] =	ssyncset.done $0x0  }
0x66: {  	[sflag:s22] =	ssyncadd.s32 $0xFFFFC000  }
0x67: {  	[tilespmem:s10], [sflag:$0x2] =	stream.indirect.gather [hbm4b:s3+s8], $0x80, s23, s8, $0xb8;
	[tilespmem:$0x10300] =	vst v63  }
0x68: {  	_ =	swait.ge [sflag:s24], $0x4000  }
0x69: {  	[sflag:s24] =	ssyncset.done $0x0  }
0x6a: {  	[sflag:s24] =	ssyncadd.s32 $0xFFFFC000  }
0x6b: {  	[hbm4b:s25+s4] =	stream.linear.scatter [tilespmem:s15], [sflag:$0x8], $0x4000, $0x38;
	[tilespmem:$0x10300] =	vst v63  }
0x6c: {  	_ =	swait.ge [sflag:s13], $0x4000  }
0x6d: {  	[sflag:s13] =	ssyncset.done $0x0  }
0x6e: {  	[sflag:s13] =	ssyncadd.s32 $0xFFFFC000  }
0x6f: {  	[hbm4b:s26+s4] =	stream.linear.scatter [tilespmem:s9], [sflag:$0x5], $0x4000, $0x38;
	[tilespmem:$0x10300] =	vst v63  }
0x70: {  	_ =	swait.ge [sflag:s16], $0x4000  }
0x71: {  	[sflag:s16] =	ssyncset.done $0x0  }
0x72: {  	[sflag:s16] =	ssyncadd.s32 $0xFFFFC000  }
0x73: {  	[hbm4b:s28+s4] =	stream.linear.scatter [tilespmem:s10], [sflag:$0x6], $0x4000, $0x38;
	[tilespmem:$0x10300] =	vst v63  }
0x74: {  	_ =	swait.ge [sflag:s18], $0x4000  }
0x75: {  	[sflag:s18] =	ssyncset.done $0x0  }
0x76: {  	[sflag:s18] =	ssyncadd.s32 $0xFFFFC000  }
0x77: {  	_ =	swait.ge [sflag:s22], $0x4000  }
0x78: {  	p0 =	sne.s32 s31, $0x1;
	[sflag:s22] =	ssyncset.done $0x0  }
.Ltmp1:
0x79: {  	[sflag:s22] =	ssyncadd.s32 $0xFFFFC000;
	(pc) =	sbr.rel @p0 .LBB2_1-.Ltmp1, $4  }
0x7a: {  	_ =	swait.ge [sflag:s29], $0x4000  }
0x7b: {  	[sflag:s29] =	ssyncset.done $0x0  }
0x7c: {  	[sflag:s29] =	ssyncadd.s32 $0xFFFFC000  }
0x7d: {  	s31 =	sadd.s32 $0xFFFFFFFF, s31;
	_ =	swait.ge [sflag:s30], $0x4000  }
.LBB2_2:
0x7e: {  	[sflag:s30] =	ssyncset.done $0x0  }
0x7f: {  	[sflag:s30] =	ssyncadd.s32 $0xFFFFC000  }
0x80: {  	_ =	sfence.sel $0x180000  }
0x81: {  	[bflag:$0x0] =	sbarrier.arrive $0xFFFF  }
0x82: {  	_ =	strace $0x90000047  }
0x83: {  	[bflag:$0x2] =	sbarrier.arrive $0xFFFF  }
0x84: {  	p0 =	sne.s32 s0, $0x0;
	s0 =	rddreg [dreg:$0x5]  }
0x85: {  	s0 =	sadd.s32 @!p0 $0x100000, s0  }
0x86: {  	[sflag:s0] =	ssyncadd.tile.s32 @!p0 $0x1;
	_ =	shalt  }
.Lfunc_end2:
_tile_overlayer_lowered:
.L_overlay_start_2:
0x87: {  	(tag) =	ssettag $0x2  }
0x88: {  	s0 =	rddreg [dreg:$0x0];
	s2 =	stileid.u32  }
0x89: {  	s1 =	rddreg [dreg:$0x1];
	p0 =	sne.s32 s2, $0x0  }
0x8a: {  	s3 =	rddreg [dreg:$0x2];
	[bflag:$0x3] =	sbarrier.arrive $0xFFFF;
	s2 =	simm.s32 @!p0 $0x1C09  }
0x8b: {  	[timem:s3], [sflag:s2] =	dma.local @!p0 [hbm:s0], s1  }
0x8c: {  	s0 =	simm.s32 @!p0 $0x9  }
0x8d: {  	_ =	swait.ge @!p0 [sflag:s0], s1  }
0x8e: {  	s1 =	ssub.s32 @!p0 $0x0, s1;
	[sflag:s0] =	ssyncset.done @!p0 $0x0  }
0x8f: {  	[sflag:s0] =	ssyncadd.s32 @!p0 s1  }
0x90: {  	[bflag:$0x3] =	sbarrier.arrive $0xFFFF  }
0x91: {  	_ =	shalt  }

// kernel: sc_embedding_gather.7.cloned.1.call-start
scs
__scs_entry_jumppad:
0x0: {  	(pc) =	sbr.rel $0x88, $3  }
0x1: {  	(tag) =	ssettag $0x0;
	lr =	simm.s32 $0x1  }
0x2: {  	[smem:$0x3F97] =	sst lr;
	_ =	strace $0xD0000000  }
0x3: {  	_ = 	snop  }
0x4: {  	_ = 	snop  }
0x5: {  	_ = 	snop  }
0x6: {  	_ = 	snop  }
0x7: {  	_ = 	snop  }
__scs_overlays_trampoline_lowered:
0x8: {  	[smem:$0x3FA6] =	sst s0  }
0x9: {  	[smem:$0x3FA7] =	sst s1  }
0xa: {  	[smem:$0x3FA8] =	sst s2  }
0xb: {  	[smem:$0x3FA9] =	sst s3  }
0xc: {  	[smem:$0x3FAA] =	sst s4  }
0xd: {  	[smem:$0x3FAB] =	sst s5  }
0xe: {  	[smem:$0x3FAC] =	sst s6  }
0xf: {  	[smem:$0x3FAD] =	sst s7  }
0x10: {  	[smem:$0x3FAE] =	sst s8  }
0x11: {  	[smem:$0x3FAF] =	sst s9;
	s0 =	simm.s32 @!p0 $0x0  }
0x12: {  	s1 =	sld [smem:$0x3F95];
	s0 =	simm.s32 @p0 $0x1  }
0x13: {  	[smem:$0x3FB0] =	sst s0;
	s0 =	simm.s32 @!p1 $0x0  }
0x14: {  	s2 =	sld [smem:$0x3F94];
	s0 =	simm.s32 @p1 $0x1  }
0x15: {  	[smem:$0x3FB1] =	sst s0;
	s0 =	simm.s32 @!p2 $0x0  }
0x16: {  	s3 =	sld [smem:$0x3FDB];
	s0 =	simm.s32 @p2 $0x1  }
0x17: {  	s4 =	simm.s32 $0x1BF5;
	[smem:$0x3FB3] =	sst s0  }
0x18: {  	s0 =	sld [smem:$0x3F96];
	_ =	swait.ge [sflag:s4], $0x0  }
0x19: {  	s7 =	sld [smem:$0x3F97]  }
0x1a: {  	s8 =	sadd.s32 $0xFFFFE003, lr  }
0x1b: {  	s9 =	sadd.s32 $0xFFFFFEF7, lr;
	s5 =	simm.s32 $0xFFFFFFFF;
	p2 =	slt.u32 s8, $0xFFFFF086  }
0x1c: {  	p1 =	slt.u32 s9, $0xF7A;
	s5 =	simm.s32 @!p2 $0x0  }
0x1d: {  	s5 =	simm.s32 @p1 $0x1;
	p0 =	seq.s32 s7, s2  }
0x1e: {  	s7 =	smul.u32 @!p0 $0xF7A, s2;
	p2 =	seq.s32 @!p0 s5, $0x0  }
0x1f: {  	s9 =	smul.u32 $0xF7A, s1;
	s8 =	simm.s32 @!p0 $0x1BF5;
	p2 =	por !p2, p0  }
0x20: {  	[sflag:s8] =	ssyncset.s32 @!p0 $0xFFFFF086;
	s6 =	sadd.s32 @!p0 s3, s7;
	s7 =	simm.s32 @!p0 $0x108  }
0x21: {  	s3 =	sadd.s32 s3, s9;
	s6 =	sadd.s32 @!p0 $0x88, s6;
	s7 =	simm.s32 @p2 $0x1082  }
0x22: {  	[simem:s7], [sflag:s8] =	dma.local @!p0 [hbm:s6], $0xF7A  }
0x23: {  	s9 =	sor.u32 $0xD0000000, s2;
	s6 =	simm.s32 $0x108;
	_ =	swait.ge @!p0 [sflag:s8], $0x0  }
0x24: {  	s3 =	sadd.s32 $0x88, s3;
	s6 =	simm.s32 @!p1 $0x1082;
	[sflag:s4] =	ssyncset.s32 $0xFFFFF086  }
0x25: {  	[simem:s6], [sflag:s4] =	dma.local [hbm:s3], $0xF7A  }
0x26: {  	[smem:$0x3F97] =	sst s1;
	(tag) =	ssettag s2;
	_ =	strace s9  }
0x27: {  	s1 =	sld [smem:$0x3FA7]  }
0x28: {  	s2 =	sld [smem:$0x3FA8]  }
0x29: {  	s4 =	sld [smem:$0x3FAA]  }
0x2a: {  	p0 =	seq.s32 s5, $0x0;
	s5 =	sld [smem:$0x3FAB]  }
0x2b: {  	s6 =	sld [smem:$0x3FAC]  }
0x2c: {  	s7 =	sld [smem:$0x3FAD]  }
0x2d: {  	s3 =	simm.s32 $0x108;
	s8 =	sld [smem:$0x3FAE]  }
0x2e: {  	s3 =	simm.s32 @!p0 $0x1082;
	s9 =	sld [smem:$0x3FAF]  }
0x2f: {  	lr =	sadd.s32 s0, s3;
	s0 =	sld [smem:$0x3FA6]  }
0x30: {  	s3 =	sld [smem:$0x3FA9]  }
0x31: {  	[smem:$0x3FB2] =	sst s10  }
0x32: {  	s10 =	sld [smem:$0x3FB0];
	_ =	sdelay $0x3  }
0x33: {  	p0 =	seq.s32 s10, $0x1;
	s10 =	sld [smem:$0x3FB2];
	_ =	sdelay $0x3  }
0x34: {  	[smem:$0x3FB2] =	sst s10  }
0x35: {  	s10 =	sld [smem:$0x3FB1];
	_ =	sdelay $0x3  }
0x36: {  	p1 =	seq.s32 s10, $0x1;
	s10 =	sld [smem:$0x3FB2];
	_ =	sdelay $0x3  }
0x37: {  	[smem:$0x3FB2] =	sst s10  }
0x38: {  	s10 =	sld [smem:$0x3FB3]  }
0x39: {  	_ = 	snop;
	(pc) =	sbr.ind lr, $3  }
0x3a: {  	_ = 	snop  }
0x3b: {  	_ = 	snop  }
0x3c: {  	p2 =	seq.s32 s10, $0x1;
	s10 =	sld [smem:$0x3FB2]  }
0x3d: {  	_ =	shalt  }
0x3e: {  	_ =	shalt  }
0x3f: {  	_ =	shalt  }
0x40: {  	_ =	shalt  }
0x41: {  	_ =	shalt  }
0x42: {  	_ =	shalt  }
0x43: {  	_ =	shalt  }
0x44: {  	_ =	shalt  }
0x45: {  	_ =	shalt  }
0x46: {  	_ =	shalt  }
0x47: {  	_ =	shalt  }
0x48: {  	_ =	shalt  }
0x49: {  	_ =	shalt  }
0x4a: {  	_ =	shalt  }
0x4b: {  	_ =	shalt  }
0x4c: {  	_ =	shalt  }
0x4d: {  	_ =	shalt  }
0x4e: {  	_ =	shalt  }
0x4f: {  	_ =	shalt  }
0x50: {  	_ =	shalt  }
0x51: {  	_ =	shalt  }
0x52: {  	_ =	shalt  }
0x53: {  	_ =	shalt  }
0x54: {  	_ =	shalt  }
0x55: {  	_ =	shalt  }
0x56: {  	_ =	shalt  }
0x57: {  	_ =	shalt  }
0x58: {  	_ =	shalt  }
0x59: {  	_ =	shalt  }
0x5a: {  	_ =	shalt  }
0x5b: {  	_ =	shalt  }
0x5c: {  	_ =	shalt  }
0x5d: {  	_ =	shalt  }
0x5e: {  	_ =	shalt  }
0x5f: {  	_ =	shalt  }
0x60: {  	_ =	shalt  }
0x61: {  	_ =	shalt  }
0x62: {  	_ =	shalt  }
0x63: {  	_ =	shalt  }
0x64: {  	_ =	shalt  }
0x65: {  	_ =	shalt  }
0x66: {  	_ =	shalt  }
0x67: {  	_ =	shalt  }
0x68: {  	_ =	shalt  }
0x69: {  	_ =	shalt  }
0x6a: {  	_ =	shalt  }
0x6b: {  	_ =	shalt  }
0x6c: {  	_ =	shalt  }
0x6d: {  	_ =	shalt  }
0x6e: {  	_ =	shalt  }
0x6f: {  	_ =	shalt  }
0x70: {  	_ =	shalt  }
0x71: {  	_ =	shalt  }
0x72: {  	_ =	shalt  }
0x73: {  	_ =	shalt  }
0x74: {  	_ =	shalt  }
0x75: {  	_ =	shalt  }
0x76: {  	_ =	shalt  }
0x77: {  	_ =	shalt  }
0x78: {  	_ =	shalt  }
0x79: {  	_ =	shalt  }
0x7a: {  	_ =	shalt  }
0x7b: {  	_ =	shalt  }
0x7c: {  	_ =	shalt  }
0x7d: {  	_ =	shalt  }
0x7e: {  	_ =	shalt  }
0x7f: {  	_ =	shalt  }
0x80: {  	_ =	shalt  }
0x81: {  	_ =	shalt  }
0x82: {  	_ =	shalt  }
0x83: {  	_ =	shalt  }
0x84: {  	_ =	shalt  }
0x85: {  	_ =	shalt  }
0x86: {  	_ =	shalt  }
0x87: {  	_ =	shalt  }
.Lfunc_end0:
.L_simem_size_0:
called_computation.1_lowered:
.L_overlay_start_0:
0x88: {  	s2 =	sld [smem:$0x3FD9]  }
0x89: {  	s3 =	sld [smem:$0x3FFE];
	_ =	sdelay $0x1  }
0x8a: {  	s1 =	srdreg.scid  }
0x8b: {  	s0 =	sand.u32 $0x1, s1  }
0x8c: {  	s17 =	sshll.u32 s0, $0xA;
	s2 =	sadd.s32 s3, s2  }
0x8d: {  	s2 =	sadd.s32 s2, s17  }
0x8e: {  	[smem:$0x3FBE] =	sst s2  }
0x8f: {  	_ = 	snop  }
0x90: {  	s18 =	sld [smem:$0x3FC9]  }
0x91: {  	s4 =	sld [smem:$0x3FC8]  }
0x92: {  	s5 =	sld [smem:$0x3FC7]  }
0x93: {  	s6 =	sld [smem:$0x3FC6];
	(tm) =	ssettm $0x1  }
0x94: {  	s19 =	sld [smem:$0x3FFB];
	_ =	sdelay $0x3  }
0x95: {  	_ =	strace s19  }
0x96: {  	s2 =	sld [smem:$0x3FFC];
	_ =	sdelay $0x3  }
0x97: {  	_ =	strace s2  }
0x98: {  	s2 =	sld [smem:$0x3FFD];
	_ =	sdelay $0x3  }
0x99: {  	_ =	strace s2  }
0x9a: {  	_ =	strace $0x8FFFFFFF  }
0x9b: {  	s20 =	sld [smem:$0x3FDB];
	_ =	sdelay $0x1  }
0x9c: {  	s7 =	simm.s32 $_scs_section_size  }
0x9d: {  	s8 =	simm.s32 $_size__tile_overlayer_lowered;
	s9 =	simm.s32 $_tile_overlayer_lowered  }
0x9e: {  	s10 =	simm.s32 $0x1BFF;
	s21 =	sshll.u32 s9, $0x1;
	s7 =	sadd.s32 s7, s20  }
0x9f: {  	s22 =	simm.s32 $0x0;
	s8 =	sshll.u32 s8, $0x1;
	s9 =	sadd.s32 s21, s7  }
0xa0: {  	[timem:s22], [sflag:s10] =	dma.local [hbm:s9], s8  }
0xa1: {  	_ =	swait.ge [sflag:s10], s8  }
0xa2: {  	s8 =	ssub.s32 $0x0, s8;
	[sflag:s10] =	ssyncset.done $0x0  }
0xa3: {  	[sflag:s10] =	ssyncadd.s32 s8;
	_ =	sdelay $0x1  }
0xa4: {  	s23 =	simm.s32 $0x1B8B  }
0xa5: {  	_ =	swait.ge [sflag:s23], $0x1  }
0xa6: {  	[sflag:s23] =	ssyncset.done $0x0  }
0xa7: {  	[sflag:s23] =	ssyncadd.s32 $0xFFFFFFFF  }
0xa8: {  	s8 =	sld [smem:$0x0]  }
0xa9: {  	s9 =	sand.u32 $0xFFFFFFFE, s1  }
0xaa: {  	p0 =	sne.s32 s1, s9  }
0xab: {  	s9 =	sshll.u32 @p0 s9, $0xE  }
0xac: {  	s9 =	sadd.s32 @p0 $0x11B8D, s9;
	s10 =	sshll.u32 @p0 s8, $0x11  }
0xad: {  	s9 =	sor.u32 @p0 s10, s9  }
0xae: {  	[sflag:s9] =	ssyncadd.remote.s32 @p0 $0x1;
	_ =	sdelay $0x1  }
0xaf: {  	s9 =	simm.s32 @p0 $0x1B8D  }
0xb0: {  	_ =	swait.eq @p0 [sflag:s9], $0x1  }
0xb1: {  	[sflag:s9] =	ssyncadd.s32 @p0 $0xFFFFFFFF  }
0xb2: {  	s10 =	sshll.u32 @!p0 s1, $0xE  }
0xb3: {  	s10 =	sor.u32 @!p0 $0x4000, s10;
	s9 =	simm.s32 @!p0 $0x1B8D  }
0xb4: {  	s8 =	sshll.u32 @!p0 s8, $0x11;
	s10 =	sadd.s32 @!p0 $0x11B8D, s10;
	_ =	swait.eq @!p0 [sflag:s9], $0x1  }
0xb5: {  	s8 =	sor.u32 @!p0 s8, s10;
	[sflag:s9] =	ssyncadd.s32 @!p0 $0xFFFFFFFF  }
0xb6: {  	s25 =	simm.s32 $0x1B8E;
	s24 =	sld [smem:$0x3FFE];
	[sflag:s8] =	ssyncadd.remote.s32 @!p0 $0x1  }
0xb7: {  	s26 =	simm.s32 $execute0_lowered;
	[smem:$0x3FD2] =	sst s25  }
0xb8: {  	s9 =	sshll.u32 s26, $0x1;
	_ =	strace $0x80000049;
	[dreg:$0x1] =	wrdreg $0xFFFFFFFF  }
0xb9: {  	s28 =	simm.s32 $_size_execute0_lowered;
	s7 =	sadd.s32 s7, s9;
	[dreg:$0x0] =	wrdreg $0x0  }
0xba: {  	s9 =	sshll.u32 s28, $0x1;
	[dreg:$0x2] =	wrdreg s7  }
0xbb: {  	[dreg:$0x3] =	wrdreg s9  }
0xbc: {  	[dreg:$0x4] =	wrdreg $0xC0  }
0xbd: {  	_ =	task [dreg:s22], $0x5FFFF  }
0xbe: {  	[dreg:$0x1] =	wrdreg $0xFFFFFFFF  }
0xbf: {  	[dreg:$0x0] =	wrdreg $0x60  }
0xc0: {  	[dreg:$0x2] =	wrdreg s18  }
0xc1: {  	[dreg:$0x3] =	wrdreg s4  }
0xc2: {  	[dreg:$0x4] =	wrdreg s5  }
0xc3: {  	[dreg:$0x5] =	wrdreg s6  }
0xc4: {  	[dreg:$0x6] =	wrdreg s24  }
0xc5: {  	[dreg:$0x7] =	wrdreg $0xA  }
0xc6: {  	_ =	task.clear_ibuf [dreg:s22], $0x8FFFF;
	_ =	strace $0x90000049  }
0xc7: {  	s29 =	simm.s32 $0xA;
	_ =	strace $0x8000004B  }
0xc8: {  	_ =	swait.ge [sflag:s29], $0x1  }
0xc9: {  	[sflag:s29] =	ssyncadd.s32 $0xFFFFFFFF  }
0xca: {  	_ =	strace $0x9000004B  }
0xcb: {  	_ =	sfence  }
0xcc: {  	s30 =	sld [smem:$0x0];
	_ =	sdelay $0x2  }
0xcd: {  	s31 =	sshll.u32 s1, $0xD;
	s1 =	sshrl.u32 s1, $0x2  }
0xce: {  	s4 =	sand.u32 $0x4000, s31;
	s1 =	sadd.s32 s1, s30  }
0xcf: {  	s0 =	sor.u32 s4, s0;
	s1 =	sshll.u32 s1, $0x11  }
0xd0: {  	s0 =	sor.u32 s1, s0  }
0xd1: {  	s0 =	sadd.s32 $0x8F2B, s0  }
0xd2: {  	[sflag:s0] =	ssyncadd.remote.s32 $0x1  }
0xd3: {  	_ =	sfence.sel $0xFFFF  }
0xd4: {  	[dreg:$0x0] =	wrdreg $0xFFFFFFFF;
	(pc) =	sbr.abs _section_cstart, $3  }
0xd5: {  	[dreg:$0x1] =	wrdreg $0xFFFFFFFF  }
0xd6: {  	_ =	task.clear_ibuf [dreg:s22], $0x2FFFF;
	_ =	strace $0x9FFFFFFF  }
0xd7: {  	(tm) =	ssettm $0x7FFFFFFF  }
tec
execute0_lowered:
.L_overlay_start_1:
0x0: {  	(tag) =	ssettag $0x1  }
0x1: {  	s5 =	rddreg [dreg:$0x0]  }
0x2: {  	s7 =	rddreg [dreg:$0x1];
	s2 =	srdreg.scid  }
0x3: {  	s1 =	rddreg [dreg:$0x2];
	s0 =	stileid.u32;
	s14 =	sand.u32 $0x1, s2  }
0x4: {  	s3 =	rddreg [dreg:$0x3];
	s31 =	sshll.u32 s0, $0x8;
	s4 =	sshll.u32 s14, $0x7  }
0x5: {  	s12 =	rddreg [dreg:$0x4];
	s13 =	sor.u32 s4, s31  }
0x6: {  	s2 =	rddreg [dreg:$0x5];
	s4 =	simm.s32 $0x0;
	s6 =	sshrl.u32 s13, $0x3  }
0x7: {  	[smem:$0x7FF] =	sst s4;
	s8 =	sor.u32 $0x600, s6  }
0x8: {  	_ =	strace $0x8000004A;
	s6 =	simm.s32 $0x5;
	s5 =	sadd.s32 s5, s8  }
0x9: {  	[tilespmem:s4], [sflag:$0x5] =	stream.linear.gather [hbm4b:s5+s4], $0x80, $0x38;
	[tilespmem:$0x8100] =	vst v63  }
0xa: {  	_ =	swait.ge [sflag:s6], $0x80  }
0xb: {  	[sflag:s6] =	ssyncset.done $0x0  }
0xc: {  	s7 =	sadd.s32 s7, s8;
	s8 =	simm.s32 $0x80;
	[sflag:s6] =	ssyncadd.s32 $0xFFFFFF80  }
0xd: {  	[tilespmem:s8], [sflag:$0x5] =	stream.linear.gather [hbm4b:s7+s4], $0x80, $0x38;
	[tilespmem:$0x8100] =	vst v63  }
0xe: {  	_ =	swait.ge [sflag:s6], $0x80  }
0xf: {  	[sflag:s6] =	ssyncset.done $0x0  }
0x10: {  	s9 =	simm.s32 $0x100;
	[sflag:s6] =	ssyncadd.s32 $0xFFFFFF80  }
0x11: {  	[tilespmem:s9], [sflag:$0x1] =	stream.indirect.gather [hbm4b:s1+s8], $0x80, s4, s8, $0xb8;
	[tilespmem:$0x8100] =	vst v63  }
0x12: {  	s10 =	simm.s32 $0x4100;
	s11 =	simm.s32 $0x1  }
0x13: {  	[tilespmem:s10], [sflag:$0x2] =	stream.indirect.gather [hbm4b:s3+s8], $0x80, s8, s8, $0xb8;
	[tilespmem:$0x8100] =	vst v63  }
0x14: {  	s16 =	ssub.s32 $0x2, s14;
	s13 =	sshll.u32 s13, $0x4;
	_ =	swait.ge [sflag:s11], $0x4000  }
0x15: {  	s17 =	sshrl.u32 s16, $0x1;
	s15 =	sadd.s32 s13, s12;
	[sflag:s11] =	ssyncset.done $0x0  }
0x16: {  	s13 =	simm.s32 $0x2;
	s12 =	sadd.s32 $0x62400, s15;
	[sflag:s11] =	ssyncadd.s32 $0xFFFFC000  }
0x17: {  	[hbm4b:s12+s4] =	stream.linear.scatter [tilespmem:s9], [sflag:$0x3], $0x4000, $0x38;
	[tilespmem:$0x8100] =	vst v63  }
0x18: {  	s16 =	ssub.s32 s16, s17;
	_ =	swait.ge [sflag:s13], $0x4000  }
0x19: {  	s17 =	smax.u32 s16, $0x1;
	s14 =	sadd.s32 $0x72400, s15;
	[sflag:s13] =	ssyncset.done $0x0  }
0x1a: {  	s15 =	simm.s32 $0x3;
	p0 =	sne.s32 s17, $0x1;
	[sflag:s13] =	ssyncadd.s32 $0xFFFFC000  }
0x1b: {  	[hbm4b:s14+s4] =	stream.linear.scatter [tilespmem:s10], [sflag:$0x4], $0x4000, $0x38;
	[tilespmem:$0x8100] =	vst v63  }
.Ltmp0:
0x1c: {  	_ =	swait.ge [sflag:s15], $0x4000;
	(pc) =	sbr.rel @!p0 .LBB2_2-.Ltmp0, $4  }
0x1d: {  	[sflag:s15] =	ssyncset.done $0x0  }
0x1e: {  	s16 =	simm.s32 $0x4;
	[sflag:s15] =	ssyncadd.s32 $0xFFFFC000  }
0x1f: {  	_ =	swait.ge [sflag:s16], $0x4000  }
0x20: {  	s17 =	sadd.s32 $0xFFFFFFFF, s17;
	[sflag:s16] =	ssyncset.done $0x0  }
.LBB2_1:
0x21: {  	p0 =	sne.s32 s17, $0x1;
	s17 =	sadd.s32 $0xFFFFFFFF, s17;
	[sflag:s16] =	ssyncadd.s32 $0xFFFFC000  }
0x22: {  	[tilespmem:s4], [sflag:$0x5] =	stream.linear.gather [hbm4b:s5+s4], $0x80, $0x38;
	[tilespmem:$0x8100] =	vst v63  }
0x23: {  	_ =	swait.ge [sflag:s6], $0x80  }
0x24: {  	[sflag:s6] =	ssyncset.done $0x0  }
0x25: {  	[sflag:s6] =	ssyncadd.s32 $0xFFFFFF80  }
0x26: {  	[tilespmem:s8], [sflag:$0x5] =	stream.linear.gather [hbm4b:s7+s4], $0x80, $0x38;
	[tilespmem:$0x8100] =	vst v63  }
0x27: {  	_ =	swait.ge [sflag:s6], $0x80  }
0x28: {  	[sflag:s6] =	ssyncset.done $0x0  }
0x29: {  	[sflag:s6] =	ssyncadd.s32 $0xFFFFFF80  }
0x2a: {  	[tilespmem:s9], [sflag:$0x1] =	stream.indirect.gather [hbm4b:s1+s8], $0x80, s4, s8, $0xb8;
	[tilespmem:$0x8100] =	vst v63  }
0x2b: {  	_ = 	snop  }
0x2c: {  	[tilespmem:s10], [sflag:$0x2] =	stream.indirect.gather [hbm4b:s3+s8], $0x80, s8, s8, $0xb8;
	[tilespmem:$0x8100] =	vst v63  }
0x2d: {  	_ =	swait.ge [sflag:s11], $0x4000  }
0x2e: {  	[sflag:s11] =	ssyncset.done $0x0  }
0x2f: {  	[sflag:s11] =	ssyncadd.s32 $0xFFFFC000  }
0x30: {  	[hbm4b:s12+s4] =	stream.linear.scatter [tilespmem:s9], [sflag:$0x3], $0x4000, $0x38;
	[tilespmem:$0x8100] =	vst v63  }
0x31: {  	_ =	swait.ge [sflag:s13], $0x4000  }
0x32: {  	[sflag:s13] =	ssyncset.done $0x0  }
0x33: {  	[sflag:s13] =	ssyncadd.s32 $0xFFFFC000  }
0x34: {  	[hbm4b:s14+s4] =	stream.linear.scatter [tilespmem:s10], [sflag:$0x4], $0x4000, $0x38;
	[tilespmem:$0x8100] =	vst v63  }
.Ltmp1:
0x35: {  	_ =	swait.ge [sflag:s15], $0x4000;
	(pc) =	sbr.rel @p0 .LBB2_1-.Ltmp1, $4  }
0x36: {  	[sflag:s15] =	ssyncset.done $0x0  }
0x37: {  	[sflag:s15] =	ssyncadd.s32 $0xFFFFC000  }
0x38: {  	_ =	swait.ge [sflag:s16], $0x4000  }
0x39: {  	[sflag:s16] =	ssyncset.done $0x0  }
.LBB2_2:
0x3a: {  	[sflag:s16] =	ssyncadd.s32 $0xFFFFC000  }
0x3b: {  	_ =	sfence.sel $0x180000  }
0x3c: {  	[bflag:$0x0] =	sbarrier.arrive $0xFFFF  }
0x3d: {  	p0 =	sne.s32 s0, $0x0;
	_ =	strace $0x9000004A  }
0x3e: {  	s0 =	sadd.s32 @!p0 $0x100000, s2;
	[bflag:$0x2] =	sbarrier.arrive $0xFFFF  }
0x3f: {  	[sflag:s0] =	ssyncadd.tile.s32 @!p0 $0x1;
	_ =	shalt  }
.Lfunc_end2:
_tile_overlayer_lowered:
.L_overlay_start_2:
0x40: {  	(tag) =	ssettag $0x2  }
0x41: {  	s0 =	rddreg [dreg:$0x0];
	s2 =	stileid.u32  }
0x42: {  	s1 =	rddreg [dreg:$0x1];
	p0 =	sne.s32 s2, $0x0  }
0x43: {  	s3 =	rddreg [dreg:$0x2];
	[bflag:$0x3] =	sbarrier.arrive $0xFFFF;
	s2 =	simm.s32 @!p0 $0x1C05  }
0x44: {  	[timem:s3], [sflag:s2] =	dma.local @!p0 [hbm:s0], s1  }
0x45: {  	s0 =	simm.s32 @!p0 $0x5  }
0x46: {  	_ =	swait.ge @!p0 [sflag:s0], s1  }
0x47: {  	s1 =	ssub.s32 @!p0 $0x0, s1;
	[sflag:s0] =	ssyncset.done @!p0 $0x0  }
0x48: {  	[sflag:s0] =	ssyncadd.s32 @!p0 s1  }
0x49: {  	[bflag:$0x3] =	sbarrier.arrive $0xFFFF  }
0x4a: {  	_ =	shalt  }

</sc_bundles>
